<compile_context>
chip_gen: v7x
topology: tpu7x:2x2x1
jax: 0.10.2.dev20260603
libtpu: 0.0.44.dev20260713+nightly
codegen_flags: <defaults>
</compile_context>

<pallas_src>
import functools

import jax
import jax.numpy as jnp
from jax import lax
from jax.experimental import pallas as pl
from jax.experimental.pallas import tpu as pltpu
from jax.experimental.pallas import tpu_sc as plsc

_I = 1000
_D = 26
_B = 16384
_PA = (0, 2, 4, 6, 8, 10, 12, 14, 16, 18, 20, 22, 24, 0, 1, 4)
_PB = (1, 3, 5, 7, 9, 11, 13, 15, 17, 19, 21, 23, 25, 2, 3, 6)
_P = 16

_NC = 2
_NS = 16
_NW = _NC * _NS
_BPW = _B // _NW
_G = _BPW // 16
_PB_W = _P * _BPW

_mesh = plsc.VectorSubcoreMesh(
    core_axis_name="c", subcore_axis_name="s", num_cores=_NC, num_subcores=_NS
)


@functools.partial(
    pl.kernel,
    mesh=_mesh,
    out_type=(
        jax.ShapeDtypeStruct((_B,), jnp.float32),
        jax.ShapeDtypeStruct((_B * _P,), jnp.int32),
    ),
    compiler_params=pltpu.CompilerParams(needs_layout_passes=False),
    scratch_types=[
        pltpu.VMEM((_D, _BPW), jnp.int32),
        pltpu.VMEM((_D * _I,), jnp.float32),
        pltpu.VMEM((_PB_W,), jnp.int32),
        pltpu.VMEM((_BPW,), jnp.float32),
        pltpu.VMEM((16,), jnp.float32),
    ],
)
def _gam_phase1(xT, t0, singles, acc_out, pidx_out, x_v, sing_v, pidx_v,
                acc_v, t0_v):
    wid = lax.axis_index("s") * _NC + lax.axis_index("c")
    base = wid * _BPW
    pltpu.sync_copy(xT.at[:, pl.ds(base, _BPW)], x_v)
    pltpu.sync_copy(singles, sing_v)
    pltpu.sync_copy(t0, t0_v)

    def idx_body(g, carry):
        s0 = pl.multiple_of(g * 16, 16)
        acc = t0_v[...]
        for d in range(_D):
            iv = x_v[d, pl.ds(s0, 16)]
            acc = acc + plsc.load_gather(sing_v, [iv + d * _I])
        acc_v[pl.ds(s0, 16)] = acc
        f0 = pl.multiple_of(g * (_P * 16), 16)
        for p in range(_P):
            i = x_v[_PA[p], pl.ds(s0, 16)]
            j = x_v[_PB[p], pl.ds(s0, 16)]
            pidx_v[pl.ds(f0 + p * 16, 16)] = i * _I + j + p * (_I * _I)
        return carry

    lax.fori_loop(0, _G, idx_body, 0)

    pltpu.sync_copy(acc_v, acc_out.at[pl.ds(base, _BPW)])
    pltpu.sync_copy(pidx_v, pidx_out.at[pl.ds(wid * _PB_W, _PB_W)])


@functools.partial(
    pl.kernel,
    mesh=_mesh,
    out_type=jax.ShapeDtypeStruct((_B,), jnp.float32),
    compiler_params=pltpu.CompilerParams(needs_layout_passes=False),
    scratch_types=[
        pltpu.VMEM((_PB_W,), jnp.int32),
        pltpu.VMEM((_PB_W,), jnp.float32),
        pltpu.VMEM((_BPW,), jnp.float32),
        pltpu.SemaphoreType.DMA,
        pltpu.SemaphoreType.DMA,
    ],
)
def _gam_phase2(pairs, pidx_hbm, acc_hbm, out, pidx_v, pval_v, acc_v, sem0,
                sem1):
    wid = lax.axis_index("s") * _NC + lax.axis_index("c")
    base = wid * _BPW
    _H = _PB_W // 2
    pltpu.sync_copy(pidx_hbm.at[pl.ds(wid * _PB_W, _PB_W)], pidx_v)
    g0 = pltpu.async_copy(pairs.at[pidx_v.at[pl.ds(0, _H)]],
                          pval_v.at[pl.ds(0, _H)], sem0)
    g1 = pltpu.async_copy(pairs.at[pidx_v.at[pl.ds(_H, _H)]],
                          pval_v.at[pl.ds(_H, _H)], sem1)
    pltpu.sync_copy(acc_hbm.at[pl.ds(base, _BPW)], acc_v)

    def acc_body(g, carry):
        s0 = pl.multiple_of(g * 16, 16)
        acc = acc_v[pl.ds(s0, 16)]
        f0 = pl.multiple_of(g * (_P * 16), 16)
        for p in range(_P):
            acc = acc + pval_v[pl.ds(f0 + p * 16, 16)]
        acc_v[pl.ds(s0, 16)] = acc
        return carry

    g0.wait()
    lax.fori_loop(0, _G // 2, acc_body, 0)
    g1.wait()
    lax.fori_loop(_G // 2, _G, acc_body, 0)

    pltpu.sync_copy(acc_v, out.at[pl.ds(base, _BPW)])


def kernel(x, theta0, theta_singles, theta_pairs):
    xT = jnp.asarray(x, jnp.int32).T
    t0v = jnp.broadcast_to(jnp.asarray(theta0, jnp.float32), (16,))
    singles = jnp.asarray(theta_singles, jnp.float32).reshape(-1)
    pairs = jnp.asarray(theta_pairs, jnp.float32).reshape(-1)
    acc, pidx = _gam_phase1(xT, t0v, singles)
    return _gam_phase2(pairs, pidx, acc)

# --- scband reference (transcript-rebuilt; emitter-appended) ---
"""Pipeline reference for scband-low-body-legendre-log-linear-gam-18494129177136 (READ-ONLY COPY).

The authoritative reference and input builder live on the scoring server;
editing this copy changes nothing except your own understanding.
"""

import jax, jax.numpy as jnp
import numpy as np

I = 1000
D = 26
B = 16384
PAIRS = np.array([[0,1],[2,3],[4,5],[6,7],[8,9],[10,11],[12,13],[14,15],[16,17],[18,19],[20,21],[22,23],[24,25],[0,2],[1,3],[4,6]], dtype=np.int64)
P = PAIRS.shape[0]


def setup_inputs(seed: int = 0) -> dict:
    key = jax.random.key(seed)
    k1, k2, k3, k4 = jax.random.split(key, 4)
    x = jax.random.randint(k1, (B, D), 0, I)
    # learned parameters (theta_parameters): one scalar for the empty tuple,
    # D single-variable tables of shape (I,), and P pairwise tables of shape (I, I).
    # All I_ks are equal so singles/pairs are stacked into dense arrays.
    theta0 = jax.random.normal(k2, ()) * 0.01
    theta_singles = jax.random.normal(k3, (D, I)) * 0.01
    theta_pairs = jax.random.normal(k4, (P, I, I)) * 0.01
    return {"x": x, "theta0": theta0, "theta_singles": theta_singles, "theta_pairs": theta_pairs}


def reference(x, theta0, theta_singles, theta_pairs):
    # Log-linear GAM energy with UNIT_CONST (all interaction constants = 1):
    # f(x_b) = theta_() + sum_i theta_(i)[x_b[i]] + sum_(i,j) theta_(i,j)[x_b[i], x_b[j]]
    # With one-hot inputs the original einsum contractions reduce to exactly these gathers.
    pa = jnp.asarray(PAIRS[:, 0])
    pb = jnp.asarray(PAIRS[:, 1])
    # single-variable terms: gather theta_singles[d, x[:, d]] -> [B, D]
    single_terms = theta_singles[jnp.arange(D)[None, :], x]
    # pairwise terms: gather theta_pairs[p, x[:, pa[p]], x[:, pb[p]]] -> [B, P]
    i = x[:, pa]
    j = x[:, pb]
    pair_terms = theta_pairs[jnp.arange(P)[None, :], i, j]
    out = theta0 + jnp.sum(single_terms, axis=1) + jnp.sum(pair_terms, axis=1)
    return out

if __name__ == "__main__":
    import jax
    _d = setup_inputs()
    print(jax.jit(kernel)(*tuple(_d.values())))

</pallas_src>

<mosaic_0001>
#map = affine_map<(d0, d1) -> (0)>
module attributes {stable_mosaic.version = 14 : i64} {
  func.func @_gam_phase2(%arg0: i32, %arg1: i32, %arg2: memref<16000000xf32, #tpu.memory_space<hbm>>, %arg3: memref<262144xi32, #tpu.memory_space<hbm>>, %arg4: memref<16384xf32, #tpu.memory_space<hbm>>, %arg5: memref<16384xf32, #tpu.memory_space<hbm>>, %arg6: memref<8192xi32, #tpu.memory_space<vmem>>, %arg7: memref<8192xf32, #tpu.memory_space<vmem>>, %arg8: memref<512xf32, #tpu.memory_space<vmem>>, %arg9: memref<!tpu.dma_semaphore, #tpu.memory_space<semaphore_mem>>, %arg10: memref<!tpu.dma_semaphore, #tpu.memory_space<semaphore_mem>>) attributes {dimension_semantics = [#tpu.dimension_semantics<core_parallel>, #tpu.dimension_semantics<subcore_parallel>], iteration_bounds = array<i64: 2, 16>, scalar_prefetch = 0 : i64, scratch_operands = 5 : i64, tpu.core_type = #tpu.core_type<sc_vector_subcore>, window_params = [{transform_indices = #map}, {transform_indices = #map}, {transform_indices = #map}, {transform_indices = #map}]} {
    %mul3A = arith.constant 2 : i32
    %mul3A_0 = arith.muli %arg1, %mul3A : i32
    %add3A = arith.addi %mul3A_0, %arg0 : i32
    %mul3A_1 = arith.constant 512 : i32
    %mul3A_2 = arith.muli %add3A, %mul3A_1 : i32
    %mul3A_3 = arith.constant 8192 : i32
    %mul3A_4 = arith.muli %add3A, %mul3A_3 : i32
    "tpu.region"() ({
      %run_scoped3A = tpu.sem_alloc : memref<!tpu.dma_semaphore, #tpu.memory_space<semaphore_mem>>
      %dma_start3A_38 = tpu.memref_slice %arg3[%mul3A_4] : memref<262144xi32, #tpu.memory_space<hbm>> -> memref<8192xi32, #tpu.memory_space<hbm>>
      %dma_start3A_39 = tpu.memref_slice %arg3[%mul3A_4] : memref<262144xi32, #tpu.memory_space<hbm>> -> memref<8192xi32, #tpu.memory_space<hbm>>
      tpu.enqueue_dma source(%dma_start3A_39 : memref<8192xi32, #tpu.memory_space<hbm>>) target(%arg6 : memref<8192xi32, #tpu.memory_space<vmem>>) target_semaphore(%run_scoped3A : memref<!tpu.dma_semaphore, #tpu.memory_space<semaphore_mem>>)
      %dma_wait3A_40 = tpu.memref_slice %arg3[%mul3A_4] : memref<262144xi32, #tpu.memory_space<hbm>> -> memref<8192xi32, #tpu.memory_space<hbm>>
      %dma_wait3A_41 = tpu.memref_slice %arg3[%mul3A_4] : memref<262144xi32, #tpu.memory_space<hbm>> -> memref<8192xi32, #tpu.memory_space<hbm>>
      tpu.wait_dma2 semaphore(%run_scoped3A : memref<!tpu.dma_semaphore, #tpu.memory_space<semaphore_mem>>) src(%dma_wait3A_41 : memref<8192xi32, #tpu.memory_space<hbm>>) dst(%arg6 : memref<8192xi32, #tpu.memory_space<vmem>>)
      tpu.yield
    }) : () -> ()
    %dma_start3A = arith.constant 0 : i32
    %dma_start3A_5 = tpu.memref_slice %arg7[%dma_start3A] : memref<8192xf32, #tpu.memory_space<vmem>> -> memref<4096xf32, #tpu.memory_space<vmem>>
    %dma_start3A_6 = arith.constant 0 : i32
    %dma_start3A_7 = tpu.memref_slice %arg6[%dma_start3A_6] : memref<8192xi32, #tpu.memory_space<vmem>> -> memref<4096xi32, #tpu.memory_space<vmem>>
    %dma_start3A_8 = arith.constant 0 : i32
    %dma_start3A_9 = tpu.memref_slice %arg2[%dma_start3A_8] : memref<16000000xf32, #tpu.memory_space<hbm>> -> memref<16000000xf32, #tpu.memory_space<hbm>>
    tpu.enqueue_indirect_dma source(%dma_start3A_9 : memref<16000000xf32, #tpu.memory_space<hbm>>) target(%dma_start3A_5 : memref<4096xf32, #tpu.memory_space<vmem>>) offsets(%dma_start3A_7 : memref<4096xi32, #tpu.memory_space<vmem>>) semaphore(%arg9 : memref<!tpu.dma_semaphore, #tpu.memory_space<semaphore_mem>>)
    %dma_start3A_10 = arith.constant 4096 : i32
    %dma_start3A_11 = tpu.memref_slice %arg7[%dma_start3A_10] : memref<8192xf32, #tpu.memory_space<vmem>> -> memref<4096xf32, #tpu.memory_space<vmem>>
    %dma_start3A_12 = arith.constant 4096 : i32
    %dma_start3A_13 = tpu.memref_slice %arg6[%dma_start3A_12] : memref<8192xi32, #tpu.memory_space<vmem>> -> memref<4096xi32, #tpu.memory_space<vmem>>
    %dma_start3A_14 = arith.constant 0 : i32
    %dma_start3A_15 = tpu.memref_slice %arg2[%dma_start3A_14] : memref<16000000xf32, #tpu.memory_space<hbm>> -> memref<16000000xf32, #tpu.memory_space<hbm>>
    tpu.enqueue_indirect_dma source(%dma_start3A_15 : memref<16000000xf32, #tpu.memory_space<hbm>>) target(%dma_start3A_11 : memref<4096xf32, #tpu.memory_space<vmem>>) offsets(%dma_start3A_13 : memref<4096xi32, #tpu.memory_space<vmem>>) semaphore(%arg10 : memref<!tpu.dma_semaphore, #tpu.memory_space<semaphore_mem>>)
    "tpu.region"() ({
      %run_scoped3A = tpu.sem_alloc : memref<!tpu.dma_semaphore, #tpu.memory_space<semaphore_mem>>
      %dma_start3A_38 = tpu.memref_slice %arg4[%mul3A_2] : memref<16384xf32, #tpu.memory_space<hbm>> -> memref<512xf32, #tpu.memory_space<hbm>>
      %dma_start3A_39 = tpu.memref_slice %arg4[%mul3A_2] : memref<16384xf32, #tpu.memory_space<hbm>> -> memref<512xf32, #tpu.memory_space<hbm>>
      tpu.enqueue_dma source(%dma_start3A_39 : memref<512xf32, #tpu.memory_space<hbm>>) target(%arg8 : memref<512xf32, #tpu.memory_space<vmem>>) target_semaphore(%run_scoped3A : memref<!tpu.dma_semaphore, #tpu.memory_space<semaphore_mem>>)
      %dma_wait3A_40 = tpu.memref_slice %arg4[%mul3A_2] : memref<16384xf32, #tpu.memory_space<hbm>> -> memref<512xf32, #tpu.memory_space<hbm>>
      %dma_wait3A_41 = tpu.memref_slice %arg4[%mul3A_2] : memref<16384xf32, #tpu.memory_space<hbm>> -> memref<512xf32, #tpu.memory_space<hbm>>
      tpu.wait_dma2 semaphore(%run_scoped3A : memref<!tpu.dma_semaphore, #tpu.memory_space<semaphore_mem>>) src(%dma_wait3A_41 : memref<512xf32, #tpu.memory_space<hbm>>) dst(%arg8 : memref<512xf32, #tpu.memory_space<vmem>>)
      tpu.yield
    }) : () -> ()
    %dma_wait3A = arith.constant 0 : i32
    %dma_wait3A_16 = tpu.memref_slice %arg7[%dma_wait3A] : memref<8192xf32, #tpu.memory_space<vmem>> -> memref<4096xf32, #tpu.memory_space<vmem>>
    %dma_wait3A_17 = arith.constant 0 : i32
    %dma_wait3A_18 = tpu.memref_slice %arg6[%dma_wait3A_17] : memref<8192xi32, #tpu.memory_space<vmem>> -> memref<4096xi32, #tpu.memory_space<vmem>>
    %dma_wait3A_19 = arith.constant 0 : i32
    %dma_wait3A_20 = tpu.memref_slice %arg2[%dma_wait3A_19] : memref<16000000xf32, #tpu.memory_space<hbm>> -> memref<16000000xf32, #tpu.memory_space<hbm>>
    tpu.wait_indirect_dma semaphore(%arg9 : memref<!tpu.dma_semaphore, #tpu.memory_space<semaphore_mem>>) src(%dma_wait3A_20 : memref<16000000xf32, #tpu.memory_space<hbm>>) dst(%dma_wait3A_16 : memref<4096xf32, #tpu.memory_space<vmem>>)
    %scan3A = arith.constant 0 : i32
    %scan3A_21 = arith.constant 0 : i32
    %scan3A_22 = arith.constant 16 : i32
    %scan3A_23 = arith.addi %scan3A_21, %scan3A_22 : i32
    %scan3A_24 = arith.constant 1 : i32
    scf.for %scan3A_38 = %scan3A_21 to %scan3A_23 step %scan3A_24  : i32 {
      %mul3A_39 = arith.constant 16 : i32
      %mul3A_40 = arith.muli %scan3A_38, %mul3A_39 : i32
      %multiple_of3A = tpu.assume_multiple %mul3A_40, 16 : i32
      %get3A = arith.index_cast %multiple_of3A : i32 to index
      %get3A_41 = tpu.vector_load %arg8[%get3A] {strides = array<i32>} : memref<512xf32, #tpu.memory_space<vmem>>, vector<16xf32>,
      %mul3A_42 = arith.constant 256 : i32
      %mul3A_43 = arith.muli %scan3A_38, %mul3A_42 : i32
      %multiple_of3A_44 = tpu.assume_multiple %mul3A_43, 16 : i32
      %add3A_45 = arith.constant 0 : i32
      %add3A_46 = arith.addi %multiple_of3A_44, %add3A_45 : i32
      %get3A_47 = arith.index_cast %add3A_46 : i32 to index
      %get3A_48 = tpu.vector_load %arg7[%get3A_47] {strides = array<i32>} : memref<8192xf32, #tpu.memory_space<vmem>>, vector<16xf32>,
      %add3A_49 = arith.addf %get3A_41, %get3A_48 : vector<16xf32>
      %add3A_50 = arith.constant 16 : i32
      %add3A_51 = arith.addi %multiple_of3A_44, %add3A_50 : i32
      %get3A_52 = arith.index_cast %add3A_51 : i32 to index
      %get3A_53 = tpu.vector_load %arg7[%get3A_52] {strides = array<i32>} : memref<8192xf32, #tpu.memory_space<vmem>>, vector<16xf32>,
      %add3A_54 = arith.addf %add3A_49, %get3A_53 : vector<16xf32>
      %add3A_55 = arith.constant 32 : i32
      %add3A_56 = arith.addi %multiple_of3A_44, %add3A_55 : i32
      %get3A_57 = arith.index_cast %add3A_56 : i32 to index
      %get3A_58 = tpu.vector_load %arg7[%get3A_57] {strides = array<i32>} : memref<8192xf32, #tpu.memory_space<vmem>>, vector<16xf32>,
      %add3A_59 = arith.addf %add3A_54, %get3A_58 : vector<16xf32>
      %add3A_60 = arith.constant 48 : i32
      %add3A_61 = arith.addi %multiple_of3A_44, %add3A_60 : i32
      %get3A_62 = arith.index_cast %add3A_61 : i32 to index
      %get3A_63 = tpu.vector_load %arg7[%get3A_62] {strides = array<i32>} : memref<8192xf32, #tpu.memory_space<vmem>>, vector<16xf32>,
      %add3A_64 = arith.addf %add3A_59, %get3A_63 : vector<16xf32>
      %add3A_65 = arith.constant 64 : i32
      %add3A_66 = arith.addi %multiple_of3A_44, %add3A_65 : i32
      %get3A_67 = arith.index_cast %add3A_66 : i32 to index
      %get3A_68 = tpu.vector_load %arg7[%get3A_67] {strides = array<i32>} : memref<8192xf32, #tpu.memory_space<vmem>>, vector<16xf32>,
      %add3A_69 = arith.addf %add3A_64, %get3A_68 : vector<16xf32>
      %add3A_70 = arith.constant 80 : i32
      %add3A_71 = arith.addi %multiple_of3A_44, %add3A_70 : i32
      %get3A_72 = arith.index_cast %add3A_71 : i32 to index
      %get3A_73 = tpu.vector_load %arg7[%get3A_72] {strides = array<i32>} : memref<8192xf32, #tpu.memory_space<vmem>>, vector<16xf32>,
      %add3A_74 = arith.addf %add3A_69, %get3A_73 : vector<16xf32>
      %add3A_75 = arith.constant 96 : i32
      %add3A_76 = arith.addi %multiple_of3A_44, %add3A_75 : i32
      %get3A_77 = arith.index_cast %add3A_76 : i32 to index
      %get3A_78 = tpu.vector_load %arg7[%get3A_77] {strides = array<i32>} : memref<8192xf32, #tpu.memory_space<vmem>>, vector<16xf32>,
      %add3A_79 = arith.addf %add3A_74, %get3A_78 : vector<16xf32>
      %add3A_80 = arith.constant 112 : i32
      %add3A_81 = arith.addi %multiple_of3A_44, %add3A_80 : i32
      %get3A_82 = arith.index_cast %add3A_81 : i32 to index
      %get3A_83 = tpu.vector_load %arg7[%get3A_82] {strides = array<i32>} : memref<8192xf32, #tpu.memory_space<vmem>>, vector<16xf32>,
      %add3A_84 = arith.addf %add3A_79, %get3A_83 : vector<16xf32>
      %add3A_85 = arith.constant 128 : i32
      %add3A_86 = arith.addi %multiple_of3A_44, %add3A_85 : i32
      %get3A_87 = arith.index_cast %add3A_86 : i32 to index
      %get3A_88 = tpu.vector_load %arg7[%get3A_87] {strides = array<i32>} : memref<8192xf32, #tpu.memory_space<vmem>>, vector<16xf32>,
      %add3A_89 = arith.addf %add3A_84, %get3A_88 : vector<16xf32>
      %add3A_90 = arith.constant 144 : i32
      %add3A_91 = arith.addi %multiple_of3A_44, %add3A_90 : i32
      %get3A_92 = arith.index_cast %add3A_91 : i32 to index
      %get3A_93 = tpu.vector_load %arg7[%get3A_92] {strides = array<i32>} : memref<8192xf32, #tpu.memory_space<vmem>>, vector<16xf32>,
      %add3A_94 = arith.addf %add3A_89, %get3A_93 : vector<16xf32>
      %add3A_95 = arith.constant 160 : i32
      %add3A_96 = arith.addi %multiple_of3A_44, %add3A_95 : i32
      %get3A_97 = arith.index_cast %add3A_96 : i32 to index
      %get3A_98 = tpu.vector_load %arg7[%get3A_97] {strides = array<i32>} : memref<8192xf32, #tpu.memory_space<vmem>>, vector<16xf32>,
      %add3A_99 = arith.addf %add3A_94, %get3A_98 : vector<16xf32>
      %add3A_100 = arith.constant 176 : i32
      %add3A_101 = arith.addi %multiple_of3A_44, %add3A_100 : i32
      %get3A_102 = arith.index_cast %add3A_101 : i32 to index
      %get3A_103 = tpu.vector_load %arg7[%get3A_102] {strides = array<i32>} : memref<8192xf32, #tpu.memory_space<vmem>>, vector<16xf32>,
      %add3A_104 = arith.addf %add3A_99, %get3A_103 : vector<16xf32>
      %add3A_105 = arith.constant 192 : i32
      %add3A_106 = arith.addi %multiple_of3A_44, %add3A_105 : i32
      %get3A_107 = arith.index_cast %add3A_106 : i32 to index
      %get3A_108 = tpu.vector_load %arg7[%get3A_107] {strides = array<i32>} : memref<8192xf32, #tpu.memory_space<vmem>>, vector<16xf32>,
      %add3A_109 = arith.addf %add3A_104, %get3A_108 : vector<16xf32>
      %add3A_110 = arith.constant 208 : i32
      %add3A_111 = arith.addi %multiple_of3A_44, %add3A_110 : i32
      %get3A_112 = arith.index_cast %add3A_111 : i32 to index
      %get3A_113 = tpu.vector_load %arg7[%get3A_112] {strides = array<i32>} : memref<8192xf32, #tpu.memory_space<vmem>>, vector<16xf32>,
      %add3A_114 = arith.addf %add3A_109, %get3A_113 : vector<16xf32>
      %add3A_115 = arith.constant 224 : i32
      %add3A_116 = arith.addi %multiple_of3A_44, %add3A_115 : i32
      %get3A_117 = arith.index_cast %add3A_116 : i32 to index
      %get3A_118 = tpu.vector_load %arg7[%get3A_117] {strides = array<i32>} : memref<8192xf32, #tpu.memory_space<vmem>>, vector<16xf32>,
      %add3A_119 = arith.addf %add3A_114, %get3A_118 : vector<16xf32>
      %add3A_120 = arith.constant 240 : i32
      %add3A_121 = arith.addi %multiple_of3A_44, %add3A_120 : i32
      %get3A_122 = arith.index_cast %add3A_121 : i32 to index
      %get3A_123 = tpu.vector_load %arg7[%get3A_122] {strides = array<i32>} : memref<8192xf32, #tpu.memory_space<vmem>>, vector<16xf32>,
      %add3A_124 = arith.addf %add3A_119, %get3A_123 : vector<16xf32>
      %swap3A = arith.index_cast %multiple_of3A : i32 to index
      %swap3A_125 = tpu.vector_load %arg8[%swap3A] {strides = array<i32>} : memref<512xf32, #tpu.memory_space<vmem>>, vector<16xf32>,
      tpu.vector_store %arg8[%swap3A], %add3A_124 {strides = array<i32>} : memref<512xf32, #tpu.memory_space<vmem>>, vector<16xf32>,
    }
    %scan3A_25 = arith.constant 16 : i32
    %dma_wait3A_26 = arith.constant 4096 : i32
    %dma_wait3A_27 = tpu.memref_slice %arg7[%dma_wait3A_26] : memref<8192xf32, #tpu.memory_space<vmem>> -> memref<4096xf32, #tpu.memory_space<vmem>>
    %dma_wait3A_28 = arith.constant 4096 : i32
    %dma_wait3A_29 = tpu.memref_slice %arg6[%dma_wait3A_28] : memref<8192xi32, #tpu.memory_space<vmem>> -> memref<4096xi32, #tpu.memory_space<vmem>>
    %dma_wait3A_30 = arith.constant 0 : i32
    %dma_wait3A_31 = tpu.memref_slice %arg2[%dma_wait3A_30] : memref<16000000xf32, #tpu.memory_space<hbm>> -> memref<16000000xf32, #tpu.memory_space<hbm>>
    tpu.wait_indirect_dma semaphore(%arg10 : memref<!tpu.dma_semaphore, #tpu.memory_space<semaphore_mem>>) src(%dma_wait3A_31 : memref<16000000xf32, #tpu.memory_space<hbm>>) dst(%dma_wait3A_27 : memref<4096xf32, #tpu.memory_space<vmem>>)
    %scan3A_32 = arith.constant 0 : i32
    %scan3A_33 = arith.constant 16 : i32
    %scan3A_34 = arith.constant 16 : i32
    %scan3A_35 = arith.addi %scan3A_33, %scan3A_34 : i32
    %scan3A_36 = arith.constant 1 : i32
    scf.for %scan3A_38 = %scan3A_33 to %scan3A_35 step %scan3A_36  : i32 {
      %mul3A_39 = arith.constant 16 : i32
      %mul3A_40 = arith.muli %scan3A_38, %mul3A_39 : i32
      %multiple_of3A = tpu.assume_multiple %mul3A_40, 16 : i32
      %get3A = arith.index_cast %multiple_of3A : i32 to index
      %get3A_41 = tpu.vector_load %arg8[%get3A] {strides = array<i32>} : memref<512xf32, #tpu.memory_space<vmem>>, vector<16xf32>,
      %mul3A_42 = arith.constant 256 : i32
      %mul3A_43 = arith.muli %scan3A_38, %mul3A_42 : i32
      %multiple_of3A_44 = tpu.assume_multiple %mul3A_43, 16 : i32
      %add3A_45 = arith.constant 0 : i32
      %add3A_46 = arith.addi %multiple_of3A_44, %add3A_45 : i32
      %get3A_47 = arith.index_cast %add3A_46 : i32 to index
      %get3A_48 = tpu.vector_load %arg7[%get3A_47] {strides = array<i32>} : memref<8192xf32, #tpu.memory_space<vmem>>, vector<16xf32>,
      %add3A_49 = arith.addf %get3A_41, %get3A_48 : vector<16xf32>
      %add3A_50 = arith.constant 16 : i32
      %add3A_51 = arith.addi %multiple_of3A_44, %add3A_50 : i32
      %get3A_52 = arith.index_cast %add3A_51 : i32 to index
      %get3A_53 = tpu.vector_load %arg7[%get3A_52] {strides = array<i32>} : memref<8192xf32, #tpu.memory_space<vmem>>, vector<16xf32>,
      %add3A_54 = arith.addf %add3A_49, %get3A_53 : vector<16xf32>
      %add3A_55 = arith.constant 32 : i32
      %add3A_56 = arith.addi %multiple_of3A_44, %add3A_55 : i32
      %get3A_57 = arith.index_cast %add3A_56 : i32 to index
      %get3A_58 = tpu.vector_load %arg7[%get3A_57] {strides = array<i32>} : memref<8192xf32, #tpu.memory_space<vmem>>, vector<16xf32>,
      %add3A_59 = arith.addf %add3A_54, %get3A_58 : vector<16xf32>
      %add3A_60 = arith.constant 48 : i32
      %add3A_61 = arith.addi %multiple_of3A_44, %add3A_60 : i32
      %get3A_62 = arith.index_cast %add3A_61 : i32 to index
      %get3A_63 = tpu.vector_load %arg7[%get3A_62] {strides = array<i32>} : memref<8192xf32, #tpu.memory_space<vmem>>, vector<16xf32>,
      %add3A_64 = arith.addf %add3A_59, %get3A_63 : vector<16xf32>
      %add3A_65 = arith.constant 64 : i32
      %add3A_66 = arith.addi %multiple_of3A_44, %add3A_65 : i32
      %get3A_67 = arith.index_cast %add3A_66 : i32 to index
      %get3A_68 = tpu.vector_load %arg7[%get3A_67] {strides = array<i32>} : memref<8192xf32, #tpu.memory_space<vmem>>, vector<16xf32>,
      %add3A_69 = arith.addf %add3A_64, %get3A_68 : vector<16xf32>
      %add3A_70 = arith.constant 80 : i32
      %add3A_71 = arith.addi %multiple_of3A_44, %add3A_70 : i32
      %get3A_72 = arith.index_cast %add3A_71 : i32 to index
      %get3A_73 = tpu.vector_load %arg7[%get3A_72] {strides = array<i32>} : memref<8192xf32, #tpu.memory_space<vmem>>, vector<16xf32>,
      %add3A_74 = arith.addf %add3A_69, %get3A_73 : vector<16xf32>
      %add3A_75 = arith.constant 96 : i32
      %add3A_76 = arith.addi %multiple_of3A_44, %add3A_75 : i32
      %get3A_77 = arith.index_cast %add3A_76 : i32 to index
      %get3A_78 = tpu.vector_load %arg7[%get3A_77] {strides = array<i32>} : memref<8192xf32, #tpu.memory_space<vmem>>, vector<16xf32>,
      %add3A_79 = arith.addf %add3A_74, %get3A_78 : vector<16xf32>
      %add3A_80 = arith.constant 112 : i32
      %add3A_81 = arith.addi %multiple_of3A_44, %add3A_80 : i32
      %get3A_82 = arith.index_cast %add3A_81 : i32 to index
      %get3A_83 = tpu.vector_load %arg7[%get3A_82] {strides = array<i32>} : memref<8192xf32, #tpu.memory_space<vmem>>, vector<16xf32>,
      %add3A_84 = arith.addf %add3A_79, %get3A_83 : vector<16xf32>
      %add3A_85 = arith.constant 128 : i32
      %add3A_86 = arith.addi %multiple_of3A_44, %add3A_85 : i32
      %get3A_87 = arith.index_cast %add3A_86 : i32 to index
      %get3A_88 = tpu.vector_load %arg7[%get3A_87] {strides = array<i32>} : memref<8192xf32, #tpu.memory_space<vmem>>, vector<16xf32>,
      %add3A_89 = arith.addf %add3A_84, %get3A_88 : vector<16xf32>
      %add3A_90 = arith.constant 144 : i32
      %add3A_91 = arith.addi %multiple_of3A_44, %add3A_90 : i32
      %get3A_92 = arith.index_cast %add3A_91 : i32 to index
      %get3A_93 = tpu.vector_load %arg7[%get3A_92] {strides = array<i32>} : memref<8192xf32, #tpu.memory_space<vmem>>, vector<16xf32>,
      %add3A_94 = arith.addf %add3A_89, %get3A_93 : vector<16xf32>
      %add3A_95 = arith.constant 160 : i32
      %add3A_96 = arith.addi %multiple_of3A_44, %add3A_95 : i32
      %get3A_97 = arith.index_cast %add3A_96 : i32 to index
      %get3A_98 = tpu.vector_load %arg7[%get3A_97] {strides = array<i32>} : memref<8192xf32, #tpu.memory_space<vmem>>, vector<16xf32>,
      %add3A_99 = arith.addf %add3A_94, %get3A_98 : vector<16xf32>
      %add3A_100 = arith.constant 176 : i32
      %add3A_101 = arith.addi %multiple_of3A_44, %add3A_100 : i32
      %get3A_102 = arith.index_cast %add3A_101 : i32 to index
      %get3A_103 = tpu.vector_load %arg7[%get3A_102] {strides = array<i32>} : memref<8192xf32, #tpu.memory_space<vmem>>, vector<16xf32>,
      %add3A_104 = arith.addf %add3A_99, %get3A_103 : vector<16xf32>
      %add3A_105 = arith.constant 192 : i32
      %add3A_106 = arith.addi %multiple_of3A_44, %add3A_105 : i32
      %get3A_107 = arith.index_cast %add3A_106 : i32 to index
      %get3A_108 = tpu.vector_load %arg7[%get3A_107] {strides = array<i32>} : memref<8192xf32, #tpu.memory_space<vmem>>, vector<16xf32>,
      %add3A_109 = arith.addf %add3A_104, %get3A_108 : vector<16xf32>
      %add3A_110 = arith.constant 208 : i32
      %add3A_111 = arith.addi %multiple_of3A_44, %add3A_110 : i32
      %get3A_112 = arith.index_cast %add3A_111 : i32 to index
      %get3A_113 = tpu.vector_load %arg7[%get3A_112] {strides = array<i32>} : memref<8192xf32, #tpu.memory_space<vmem>>, vector<16xf32>,
      %add3A_114 = arith.addf %add3A_109, %get3A_113 : vector<16xf32>
      %add3A_115 = arith.constant 224 : i32
      %add3A_116 = arith.addi %multiple_of3A_44, %add3A_115 : i32
      %get3A_117 = arith.index_cast %add3A_116 : i32 to index
      %get3A_118 = tpu.vector_load %arg7[%get3A_117] {strides = array<i32>} : memref<8192xf32, #tpu.memory_space<vmem>>, vector<16xf32>,
      %add3A_119 = arith.addf %add3A_114, %get3A_118 : vector<16xf32>
      %add3A_120 = arith.constant 240 : i32
      %add3A_121 = arith.addi %multiple_of3A_44, %add3A_120 : i32
      %get3A_122 = arith.index_cast %add3A_121 : i32 to index
      %get3A_123 = tpu.vector_load %arg7[%get3A_122] {strides = array<i32>} : memref<8192xf32, #tpu.memory_space<vmem>>, vector<16xf32>,
      %add3A_124 = arith.addf %add3A_119, %get3A_123 : vector<16xf32>
      %swap3A = arith.index_cast %multiple_of3A : i32 to index
      %swap3A_125 = tpu.vector_load %arg8[%swap3A] {strides = array<i32>} : memref<512xf32, #tpu.memory_space<vmem>>, vector<16xf32>,
      tpu.vector_store %arg8[%swap3A], %add3A_124 {strides = array<i32>} : memref<512xf32, #tpu.memory_space<vmem>>, vector<16xf32>,
    }
    %scan3A_37 = arith.constant 16 : i32
    "tpu.region"() ({
      %run_scoped3A = tpu.sem_alloc : memref<!tpu.dma_semaphore, #tpu.memory_space<semaphore_mem>>
      %dma_start3A_38 = tpu.memref_slice %arg5[%mul3A_2] : memref<16384xf32, #tpu.memory_space<hbm>> -> memref<512xf32, #tpu.memory_space<hbm>>
      %dma_start3A_39 = tpu.memref_slice %arg5[%mul3A_2] : memref<16384xf32, #tpu.memory_space<hbm>> -> memref<512xf32, #tpu.memory_space<hbm>>
      tpu.enqueue_dma source(%arg8 : memref<512xf32, #tpu.memory_space<vmem>>) target(%dma_start3A_39 : memref<512xf32, #tpu.memory_space<hbm>>) target_semaphore(%run_scoped3A : memref<!tpu.dma_semaphore, #tpu.memory_space<semaphore_mem>>)
      %dma_wait3A_40 = tpu.memref_slice %arg5[%mul3A_2] : memref<16384xf32, #tpu.memory_space<hbm>> -> memref<512xf32, #tpu.memory_space<hbm>>
      %dma_wait3A_41 = tpu.memref_slice %arg5[%mul3A_2] : memref<16384xf32, #tpu.memory_space<hbm>> -> memref<512xf32, #tpu.memory_space<hbm>>
      tpu.wait_dma2 semaphore(%run_scoped3A : memref<!tpu.dma_semaphore, #tpu.memory_space<semaphore_mem>>) src(%arg8 : memref<512xf32, #tpu.memory_space<vmem>>) dst(%dma_wait3A_41 : memref<512xf32, #tpu.memory_space<hbm>>)
      tpu.yield
    }) : () -> ()
    return
  }
}

#map = affine_map<(d0, d1) -> (0, 0)>
#map1 = affine_map<(d0, d1) -> (0)>
module attributes {stable_mosaic.version = 14 : i64} {
  func.func @_gam_phase1(%arg0: i32, %arg1: i32, %arg2: memref<26x16384xi32, #tpu.memory_space<hbm>>, %arg3: memref<16xf32, #tpu.memory_space<hbm>>, %arg4: memref<26000xf32, #tpu.memory_space<hbm>>, %arg5: memref<16384xf32, #tpu.memory_space<hbm>>, %arg6: memref<262144xi32, #tpu.memory_space<hbm>>, %arg7: memref<26x512xi32, #tpu.memory_space<vmem>>, %arg8: memref<26000xf32, #tpu.memory_space<vmem>>, %arg9: memref<8192xi32, #tpu.memory_space<vmem>>, %arg10: memref<512xf32, #tpu.memory_space<vmem>>, %arg11: memref<16xf32, #tpu.memory_space<vmem>>) attributes {dimension_semantics = [#tpu.dimension_semantics<core_parallel>, #tpu.dimension_semantics<subcore_parallel>], iteration_bounds = array<i64: 2, 16>, scalar_prefetch = 0 : i64, scratch_operands = 5 : i64, tpu.core_type = #tpu.core_type<sc_vector_subcore>, window_params = [{transform_indices = #map}, {transform_indices = #map1}, {transform_indices = #map1}, {transform_indices = #map1}, {transform_indices = #map1}]} {
    %mul3A = arith.constant 2 : i32
    %mul3A_0 = arith.muli %arg1, %mul3A : i32
    %add3A = arith.addi %mul3A_0, %arg0 : i32
    %mul3A_1 = arith.constant 512 : i32
    %mul3A_2 = arith.muli %add3A, %mul3A_1 : i32
    "tpu.region"() ({
      %run_scoped3A = tpu.sem_alloc : memref<!tpu.dma_semaphore, #tpu.memory_space<semaphore_mem>>
      %dma_start3A = arith.constant 0 : i32
      %dma_start3A_10 = tpu.memref_slice %arg2[%dma_start3A, %mul3A_2] : memref<26x16384xi32, #tpu.memory_space<hbm>> -> memref<26x512xi32, #tpu.memory_space<hbm>>
      %dma_start3A_11 = arith.constant 0 : i32
      %dma_start3A_12 = tpu.memref_slice %arg2[%dma_start3A_11, %mul3A_2] : memref<26x16384xi32, #tpu.memory_space<hbm>> -> memref<26x512xi32, #tpu.memory_space<hbm>>
      tpu.enqueue_dma source(%dma_start3A_12 : memref<26x512xi32, #tpu.memory_space<hbm>>) target(%arg7 : memref<26x512xi32, #tpu.memory_space<vmem>>) target_semaphore(%run_scoped3A : memref<!tpu.dma_semaphore, #tpu.memory_space<semaphore_mem>>)
      %dma_wait3A = arith.constant 0 : i32
      %dma_wait3A_13 = tpu.memref_slice %arg2[%dma_wait3A, %mul3A_2] : memref<26x16384xi32, #tpu.memory_space<hbm>> -> memref<26x512xi32, #tpu.memory_space<hbm>>
      %dma_wait3A_14 = arith.constant 0 : i32
      %dma_wait3A_15 = tpu.memref_slice %arg2[%dma_wait3A_14, %mul3A_2] : memref<26x16384xi32, #tpu.memory_space<hbm>> -> memref<26x512xi32, #tpu.memory_space<hbm>>
      tpu.wait_dma2 semaphore(%run_scoped3A : memref<!tpu.dma_semaphore, #tpu.memory_space<semaphore_mem>>) src(%dma_wait3A_15 : memref<26x512xi32, #tpu.memory_space<hbm>>) dst(%arg7 : memref<26x512xi32, #tpu.memory_space<vmem>>)
      tpu.yield
    }) : () -> ()
    "tpu.region"() ({
      %run_scoped3A = tpu.sem_alloc : memref<!tpu.dma_semaphore, #tpu.memory_space<semaphore_mem>>
      tpu.enqueue_dma source(%arg4 : memref<26000xf32, #tpu.memory_space<hbm>>) target(%arg8 : memref<26000xf32, #tpu.memory_space<vmem>>) target_semaphore(%run_scoped3A : memref<!tpu.dma_semaphore, #tpu.memory_space<semaphore_mem>>)
      tpu.wait_dma2 semaphore(%run_scoped3A : memref<!tpu.dma_semaphore, #tpu.memory_space<semaphore_mem>>) src(%arg4 : memref<26000xf32, #tpu.memory_space<hbm>>) dst(%arg8 : memref<26000xf32, #tpu.memory_space<vmem>>)
      tpu.yield
    }) : () -> ()
    "tpu.region"() ({
      %run_scoped3A = tpu.sem_alloc : memref<!tpu.dma_semaphore, #tpu.memory_space<semaphore_mem>>
      tpu.enqueue_dma source(%arg3 : memref<16xf32, #tpu.memory_space<hbm>>) target(%arg11 : memref<16xf32, #tpu.memory_space<vmem>>) target_semaphore(%run_scoped3A : memref<!tpu.dma_semaphore, #tpu.memory_space<semaphore_mem>>)
      tpu.wait_dma2 semaphore(%run_scoped3A : memref<!tpu.dma_semaphore, #tpu.memory_space<semaphore_mem>>) src(%arg3 : memref<16xf32, #tpu.memory_space<hbm>>) dst(%arg11 : memref<16xf32, #tpu.memory_space<vmem>>)
      tpu.yield
    }) : () -> ()
    %scan3A = arith.constant 0 : i32
    %scan3A_3 = arith.constant 0 : i32
    %scan3A_4 = arith.constant 32 : i32
    %scan3A_5 = arith.addi %scan3A_3, %scan3A_4 : i32
    %scan3A_6 = arith.constant 1 : i32
    scf.for %scan3A_10 = %scan3A_3 to %scan3A_5 step %scan3A_6  : i32 {
      %mul3A_11 = arith.constant 16 : i32
      %mul3A_12 = arith.muli %scan3A_10, %mul3A_11 : i32
      %multiple_of3A = tpu.assume_multiple %mul3A_12, 16 : i32
      %get3A = arith.constant 0 : index
      %get3A_13 = tpu.vector_load %arg11[%get3A] {strides = array<i32>} : memref<16xf32, #tpu.memory_space<vmem>>, vector<16xf32>,
      %get3A_14 = arith.constant 0 : i32
      %get3A_15 = arith.index_cast %get3A_14 : i32 to index
      %get3A_16 = arith.index_cast %multiple_of3A : i32 to index
      %get3A_17 = tpu.vector_load %arg7[%get3A_15, %get3A_16] {strides = array<i32>} : memref<26x512xi32, #tpu.memory_space<vmem>>, vector<16xi32>,
      %add3A_18 = arith.constant 0 : i32
      %add3A_19 = vector.broadcast %add3A_18 : i32 to vector<16xi32>
      %add3A_20 = arith.addi %get3A_17, %add3A_19 : vector<16xi32>
      %gather3A = tpu.vector_load_idx %arg8[%add3A_20] : memref<26000xf32, #tpu.memory_space<vmem>>[vector<16xi32>], vector<16xf32>,
      %add3A_21 = arith.addf %get3A_13, %gather3A : vector<16xf32>
      %get3A_22 = arith.constant 1 : i32
      %get3A_23 = arith.index_cast %get3A_22 : i32 to index
      %get3A_24 = arith.index_cast %multiple_of3A : i32 to index
      %get3A_25 = tpu.vector_load %arg7[%get3A_23, %get3A_24] {strides = array<i32>} : memref<26x512xi32, #tpu.memory_space<vmem>>, vector<16xi32>,
      %add3A_26 = arith.constant 1000 : i32
      %add3A_27 = vector.broadcast %add3A_26 : i32 to vector<16xi32>
      %add3A_28 = arith.addi %get3A_25, %add3A_27 : vector<16xi32>
      %gather3A_29 = tpu.vector_load_idx %arg8[%add3A_28] : memref<26000xf32, #tpu.memory_space<vmem>>[vector<16xi32>], vector<16xf32>,
      %add3A_30 = arith.addf %add3A_21, %gather3A_29 : vector<16xf32>
      %get3A_31 = arith.constant 2 : i32
      %get3A_32 = arith.index_cast %get3A_31 : i32 to index
      %get3A_33 = arith.index_cast %multiple_of3A : i32 to index
      %get3A_34 = tpu.vector_load %arg7[%get3A_32, %get3A_33] {strides = array<i32>} : memref<26x512xi32, #tpu.memory_space<vmem>>, vector<16xi32>,
      %add3A_35 = arith.constant 2000 : i32
      %add3A_36 = vector.broadcast %add3A_35 : i32 to vector<16xi32>
      %add3A_37 = arith.addi %get3A_34, %add3A_36 : vector<16xi32>
      %gather3A_38 = tpu.vector_load_idx %arg8[%add3A_37] : memref<26000xf32, #tpu.memory_space<vmem>>[vector<16xi32>], vector<16xf32>,
      %add3A_39 = arith.addf %add3A_30, %gather3A_38 : vector<16xf32>
      %get3A_40 = arith.constant 3 : i32
      %get3A_41 = arith.index_cast %get3A_40 : i32 to index
      %get3A_42 = arith.index_cast %multiple_of3A : i32 to index
      %get3A_43 = tpu.vector_load %arg7[%get3A_41, %get3A_42] {strides = array<i32>} : memref<26x512xi32, #tpu.memory_space<vmem>>, vector<16xi32>,
      %add3A_44 = arith.constant 3000 : i32
      %add3A_45 = vector.broadcast %add3A_44 : i32 to vector<16xi32>
      %add3A_46 = arith.addi %get3A_43, %add3A_45 : vector<16xi32>
      %gather3A_47 = tpu.vector_load_idx %arg8[%add3A_46] : memref<26000xf32, #tpu.memory_space<vmem>>[vector<16xi32>], vector<16xf32>,
      %add3A_48 = arith.addf %add3A_39, %gather3A_47 : vector<16xf32>
      %get3A_49 = arith.constant 4 : i32
      %get3A_50 = arith.index_cast %get3A_49 : i32 to index
      %get3A_51 = arith.index_cast %multiple_of3A : i32 to index
      %get3A_52 = tpu.vector_load %arg7[%get3A_50, %get3A_51] {strides = array<i32>} : memref<26x512xi32, #tpu.memory_space<vmem>>, vector<16xi32>,
      %add3A_53 = arith.constant 4000 : i32
      %add3A_54 = vector.broadcast %add3A_53 : i32 to vector<16xi32>
      %add3A_55 = arith.addi %get3A_52, %add3A_54 : vector<16xi32>
      %gather3A_56 = tpu.vector_load_idx %arg8[%add3A_55] : memref<26000xf32, #tpu.memory_space<vmem>>[vector<16xi32>], vector<16xf32>,
      %add3A_57 = arith.addf %add3A_48, %gather3A_56 : vector<16xf32>
      %get3A_58 = arith.constant 5 : i32
      %get3A_59 = arith.index_cast %get3A_58 : i32 to index
      %get3A_60 = arith.index_cast %multiple_of3A : i32 to index
      %get3A_61 = tpu.vector_load %arg7[%get3A_59, %get3A_60] {strides = array<i32>} : memref<26x512xi32, #tpu.memory_space<vmem>>, vector<16xi32>,
      %add3A_62 = arith.constant 5000 : i32
      %add3A_63 = vector.broadcast %add3A_62 : i32 to vector<16xi32>
      %add3A_64 = arith.addi %get3A_61, %add3A_63 : vector<16xi32>
      %gather3A_65 = tpu.vector_load_idx %arg8[%add3A_64] : memref<26000xf32, #tpu.memory_space<vmem>>[vector<16xi32>], vector<16xf32>,
      %add3A_66 = arith.addf %add3A_57, %gather3A_65 : vector<16xf32>
      %get3A_67 = arith.constant 6 : i32
      %get3A_68 = arith.index_cast %get3A_67 : i32 to index
      %get3A_69 = arith.index_cast %multiple_of3A : i32 to index
      %get3A_70 = tpu.vector_load %arg7[%get3A_68, %get3A_69] {strides = array<i32>} : memref<26x512xi32, #tpu.memory_space<vmem>>, vector<16xi32>,
      %add3A_71 = arith.constant 6000 : i32
      %add3A_72 = vector.broadcast %add3A_71 : i32 to vector<16xi32>
      %add3A_73 = arith.addi %get3A_70, %add3A_72 : vector<16xi32>
      %gather3A_74 = tpu.vector_load_idx %arg8[%add3A_73] : memref<26000xf32, #tpu.memory_space<vmem>>[vector<16xi32>], vector<16xf32>,
      %add3A_75 = arith.addf %add3A_66, %gather3A_74 : vector<16xf32>
      %get3A_76 = arith.constant 7 : i32
      %get3A_77 = arith.index_cast %get3A_76 : i32 to index
      %get3A_78 = arith.index_cast %multiple_of3A : i32 to index
      %get3A_79 = tpu.vector_load %arg7[%get3A_77, %get3A_78] {strides = array<i32>} : memref<26x512xi32, #tpu.memory_space<vmem>>, vector<16xi32>,
      %add3A_80 = arith.constant 7000 : i32
      %add3A_81 = vector.broadcast %add3A_80 : i32 to vector<16xi32>
      %add3A_82 = arith.addi %get3A_79, %add3A_81 : vector<16xi32>
      %gather3A_83 = tpu.vector_load_idx %arg8[%add3A_82] : memref<26000xf32, #tpu.memory_space<vmem>>[vector<16xi32>], vector<16xf32>,
      %add3A_84 = arith.addf %add3A_75, %gather3A_83 : vector<16xf32>
      %get3A_85 = arith.constant 8 : i32
      %get3A_86 = arith.index_cast %get3A_85 : i32 to index
      %get3A_87 = arith.index_cast %multiple_of3A : i32 to index
      %get3A_88 = tpu.vector_load %arg7[%get3A_86, %get3A_87] {strides = array<i32>} : memref<26x512xi32, #tpu.memory_space<vmem>>, vector<16xi32>,
      %add3A_89 = arith.constant 8000 : i32
      %add3A_90 = vector.broadcast %add3A_89 : i32 to vector<16xi32>
      %add3A_91 = arith.addi %get3A_88, %add3A_90 : vector<16xi32>
      %gather3A_92 = tpu.vector_load_idx %arg8[%add3A_91] : memref<26000xf32, #tpu.memory_space<vmem>>[vector<16xi32>], vector<16xf32>,
      %add3A_93 = arith.addf %add3A_84, %gather3A_92 : vector<16xf32>
      %get3A_94 = arith.constant 9 : i32
      %get3A_95 = arith.index_cast %get3A_94 : i32 to index
      %get3A_96 = arith.index_cast %multiple_of3A : i32 to index
      %get3A_97 = tpu.vector_load %arg7[%get3A_95, %get3A_96] {strides = array<i32>} : memref<26x512xi32, #tpu.memory_space<vmem>>, vector<16xi32>,
      %add3A_98 = arith.constant 9000 : i32
      %add3A_99 = vector.broadcast %add3A_98 : i32 to vector<16xi32>
      %add3A_100 = arith.addi %get3A_97, %add3A_99 : vector<16xi32>
      %gather3A_101 = tpu.vector_load_idx %arg8[%add3A_100] : memref<26000xf32, #tpu.memory_space<vmem>>[vector<16xi32>], vector<16xf32>,
      %add3A_102 = arith.addf %add3A_93, %gather3A_101 : vector<16xf32>
      %get3A_103 = arith.constant 10 : i32
      %get3A_104 = arith.index_cast %get3A_103 : i32 to index
      %get3A_105 = arith.index_cast %multiple_of3A : i32 to index
      %get3A_106 = tpu.vector_load %arg7[%get3A_104, %get3A_105] {strides = array<i32>} : memref<26x512xi32, #tpu.memory_space<vmem>>, vector<16xi32>,
      %add3A_107 = arith.constant 10000 : i32
      %add3A_108 = vector.broadcast %add3A_107 : i32 to vector<16xi32>
      %add3A_109 = arith.addi %get3A_106, %add3A_108 : vector<16xi32>
      %gather3A_110 = tpu.vector_load_idx %arg8[%add3A_109] : memref<26000xf32, #tpu.memory_space<vmem>>[vector<16xi32>], vector<16xf32>,
      %add3A_111 = arith.addf %add3A_102, %gather3A_110 : vector<16xf32>
      %get3A_112 = arith.constant 11 : i32
      %get3A_113 = arith.index_cast %get3A_112 : i32 to index
      %get3A_114 = arith.index_cast %multiple_of3A : i32 to index
      %get3A_115 = tpu.vector_load %arg7[%get3A_113, %get3A_114] {strides = array<i32>} : memref<26x512xi32, #tpu.memory_space<vmem>>, vector<16xi32>,
      %add3A_116 = arith.constant 11000 : i32
      %add3A_117 = vector.broadcast %add3A_116 : i32 to vector<16xi32>
      %add3A_118 = arith.addi %get3A_115, %add3A_117 : vector<16xi32>
      %gather3A_119 = tpu.vector_load_idx %arg8[%add3A_118] : memref<26000xf32, #tpu.memory_space<vmem>>[vector<16xi32>], vector<16xf32>,
      %add3A_120 = arith.addf %add3A_111, %gather3A_119 : vector<16xf32>
      %get3A_121 = arith.constant 12 : i32
      %get3A_122 = arith.index_cast %get3A_121 : i32 to index
      %get3A_123 = arith.index_cast %multiple_of3A : i32 to index
      %get3A_124 = tpu.vector_load %arg7[%get3A_122, %get3A_123] {strides = array<i32>} : memref<26x512xi32, #tpu.memory_space<vmem>>, vector<16xi32>,
      %add3A_125 = arith.constant 12000 : i32
      %add3A_126 = vector.broadcast %add3A_125 : i32 to vector<16xi32>
      %add3A_127 = arith.addi %get3A_124, %add3A_126 : vector<16xi32>
      %gather3A_128 = tpu.vector_load_idx %arg8[%add3A_127] : memref<26000xf32, #tpu.memory_space<vmem>>[vector<16xi32>], vector<16xf32>,
      %add3A_129 = arith.addf %add3A_120, %gather3A_128 : vector<16xf32>
      %get3A_130 = arith.constant 13 : i32
      %get3A_131 = arith.index_cast %get3A_130 : i32 to index
      %get3A_132 = arith.index_cast %multiple_of3A : i32 to index
      %get3A_133 = tpu.vector_load %arg7[%get3A_131, %get3A_132] {strides = array<i32>} : memref<26x512xi32, #tpu.memory_space<vmem>>, vector<16xi32>,
      %add3A_134 = arith.constant 13000 : i32
      %add3A_135 = vector.broadcast %add3A_134 : i32 to vector<16xi32>
      %add3A_136 = arith.addi %get3A_133, %add3A_135 : vector<16xi32>
      %gather3A_137 = tpu.vector_load_idx %arg8[%add3A_136] : memref<26000xf32, #tpu.memory_space<vmem>>[vector<16xi32>], vector<16xf32>,
      %add3A_138 = arith.addf %add3A_129, %gather3A_137 : vector<16xf32>
      %get3A_139 = arith.constant 14 : i32
      %get3A_140 = arith.index_cast %get3A_139 : i32 to index
      %get3A_141 = arith.index_cast %multiple_of3A : i32 to index
      %get3A_142 = tpu.vector_load %arg7[%get3A_140, %get3A_141] {strides = array<i32>} : memref<26x512xi32, #tpu.memory_space<vmem>>, vector<16xi32>,
      %add3A_143 = arith.constant 14000 : i32
      %add3A_144 = vector.broadcast %add3A_143 : i32 to vector<16xi32>
      %add3A_145 = arith.addi %get3A_142, %add3A_144 : vector<16xi32>
      %gather3A_146 = tpu.vector_load_idx %arg8[%add3A_145] : memref<26000xf32, #tpu.memory_space<vmem>>[vector<16xi32>], vector<16xf32>,
      %add3A_147 = arith.addf %add3A_138, %gather3A_146 : vector<16xf32>
      %get3A_148 = arith.constant 15 : i32
      %get3A_149 = arith.index_cast %get3A_148 : i32 to index
      %get3A_150 = arith.index_cast %multiple_of3A : i32 to index
      %get3A_151 = tpu.vector_load %arg7[%get3A_149, %get3A_150] {strides = array<i32>} : memref<26x512xi32, #tpu.memory_space<vmem>>, vector<16xi32>,
      %add3A_152 = arith.constant 15000 : i32
      %add3A_153 = vector.broadcast %add3A_152 : i32 to vector<16xi32>
      %add3A_154 = arith.addi %get3A_151, %add3A_153 : vector<16xi32>
      %gather3A_155 = tpu.vector_load_idx %arg8[%add3A_154] : memref<26000xf32, #tpu.memory_space<vmem>>[vector<16xi32>], vector<16xf32>,
      %add3A_156 = arith.addf %add3A_147, %gather3A_155 : vector<16xf32>
      %get3A_157 = arith.constant 16 : i32
      %get3A_158 = arith.index_cast %get3A_157 : i32 to index
      %get3A_159 = arith.index_cast %multiple_of3A : i32 to index
      %get3A_160 = tpu.vector_load %arg7[%get3A_158, %get3A_159] {strides = array<i32>} : memref<26x512xi32, #tpu.memory_space<vmem>>, vector<16xi32>,
      %add3A_161 = arith.constant 16000 : i32
      %add3A_162 = vector.broadcast %add3A_161 : i32 to vector<16xi32>
      %add3A_163 = arith.addi %get3A_160, %add3A_162 : vector<16xi32>
      %gather3A_164 = tpu.vector_load_idx %arg8[%add3A_163] : memref<26000xf32, #tpu.memory_space<vmem>>[vector<16xi32>], vector<16xf32>,
      %add3A_165 = arith.addf %add3A_156, %gather3A_164 : vector<16xf32>
      %get3A_166 = arith.constant 17 : i32
      %get3A_167 = arith.index_cast %get3A_166 : i32 to index
      %get3A_168 = arith.index_cast %multiple_of3A : i32 to index
      %get3A_169 = tpu.vector_load %arg7[%get3A_167, %get3A_168] {strides = array<i32>} : memref<26x512xi32, #tpu.memory_space<vmem>>, vector<16xi32>,
      %add3A_170 = arith.constant 17000 : i32
      %add3A_171 = vector.broadcast %add3A_170 : i32 to vector<16xi32>
      %add3A_172 = arith.addi %get3A_169, %add3A_171 : vector<16xi32>
      %gather3A_173 = tpu.vector_load_idx %arg8[%add3A_172] : memref<26000xf32, #tpu.memory_space<vmem>>[vector<16xi32>], vector<16xf32>,
      %add3A_174 = arith.addf %add3A_165, %gather3A_173 : vector<16xf32>
      %get3A_175 = arith.constant 18 : i32
      %get3A_176 = arith.index_cast %get3A_175 : i32 to index
      %get3A_177 = arith.index_cast %multiple_of3A : i32 to index
      %get3A_178 = tpu.vector_load %arg7[%get3A_176, %get3A_177] {strides = array<i32>} : memref<26x512xi32, #tpu.memory_space<vmem>>, vector<16xi32>,
      %add3A_179 = arith.constant 18000 : i32
      %add3A_180 = vector.broadcast %add3A_179 : i32 to vector<16xi32>
      %add3A_181 = arith.addi %get3A_178, %add3A_180 : vector<16xi32>
      %gather3A_182 = tpu.vector_load_idx %arg8[%add3A_181] : memref<26000xf32, #tpu.memory_space<vmem>>[vector<16xi32>], vector<16xf32>,
      %add3A_183 = arith.addf %add3A_174, %gather3A_182 : vector<16xf32>
      %get3A_184 = arith.constant 19 : i32
      %get3A_185 = arith.index_cast %get3A_184 : i32 to index
      %get3A_186 = arith.index_cast %multiple_of3A : i32 to index
      %get3A_187 = tpu.vector_load %arg7[%get3A_185, %get3A_186] {strides = array<i32>} : memref<26x512xi32, #tpu.memory_space<vmem>>, vector<16xi32>,
      %add3A_188 = arith.constant 19000 : i32
      %add3A_189 = vector.broadcast %add3A_188 : i32 to vector<16xi32>
      %add3A_190 = arith.addi %get3A_187, %add3A_189 : vector<16xi32>
      %gather3A_191 = tpu.vector_load_idx %arg8[%add3A_190] : memref<26000xf32, #tpu.memory_space<vmem>>[vector<16xi32>], vector<16xf32>,
      %add3A_192 = arith.addf %add3A_183, %gather3A_191 : vector<16xf32>
      %get3A_193 = arith.constant 20 : i32
      %get3A_194 = arith.index_cast %get3A_193 : i32 to index
      %get3A_195 = arith.index_cast %multiple_of3A : i32 to index
      %get3A_196 = tpu.vector_load %arg7[%get3A_194, %get3A_195] {strides = array<i32>} : memref<26x512xi32, #tpu.memory_space<vmem>>, vector<16xi32>,
      %add3A_197 = arith.constant 20000 : i32
      %add3A_198 = vector.broadcast %add3A_197 : i32 to vector<16xi32>
      %add3A_199 = arith.addi %get3A_196, %add3A_198 : vector<16xi32>
      %gather3A_200 = tpu.vector_load_idx %arg8[%add3A_199] : memref<26000xf32, #tpu.memory_space<vmem>>[vector<16xi32>], vector<16xf32>,
      %add3A_201 = arith.addf %add3A_192, %gather3A_200 : vector<16xf32>
      %get3A_202 = arith.constant 21 : i32
      %get3A_203 = arith.index_cast %get3A_202 : i32 to index
      %get3A_204 = arith.index_cast %multiple_of3A : i32 to index
      %get3A_205 = tpu.vector_load %arg7[%get3A_203, %get3A_204] {strides = array<i32>} : memref<26x512xi32, #tpu.memory_space<vmem>>, vector<16xi32>,
      %add3A_206 = arith.constant 21000 : i32
      %add3A_207 = vector.broadcast %add3A_206 : i32 to vector<16xi32>
      %add3A_208 = arith.addi %get3A_205, %add3A_207 : vector<16xi32>
      %gather3A_209 = tpu.vector_load_idx %arg8[%add3A_208] : memref<26000xf32, #tpu.memory_space<vmem>>[vector<16xi32>], vector<16xf32>,
      %add3A_210 = arith.addf %add3A_201, %gather3A_209 : vector<16xf32>
      %get3A_211 = arith.constant 22 : i32
      %get3A_212 = arith.index_cast %get3A_211 : i32 to index
      %get3A_213 = arith.index_cast %multiple_of3A : i32 to index
      %get3A_214 = tpu.vector_load %arg7[%get3A_212, %get3A_213] {strides = array<i32>} : memref<26x512xi32, #tpu.memory_space<vmem>>, vector<16xi32>,
      %add3A_215 = arith.constant 22000 : i32
      %add3A_216 = vector.broadcast %add3A_215 : i32 to vector<16xi32>
      %add3A_217 = arith.addi %get3A_214, %add3A_216 : vector<16xi32>
      %gather3A_218 = tpu.vector_load_idx %arg8[%add3A_217] : memref<26000xf32, #tpu.memory_space<vmem>>[vector<16xi32>], vector<16xf32>,
      %add3A_219 = arith.addf %add3A_210, %gather3A_218 : vector<16xf32>
      %get3A_220 = arith.constant 23 : i32
      %get3A_221 = arith.index_cast %get3A_220 : i32 to index
      %get3A_222 = arith.index_cast %multiple_of3A : i32 to index
      %get3A_223 = tpu.vector_load %arg7[%get3A_221, %get3A_222] {strides = array<i32>} : memref<26x512xi32, #tpu.memory_space<vmem>>, vector<16xi32>,
      %add3A_224 = arith.constant 23000 : i32
      %add3A_225 = vector.broadcast %add3A_224 : i32 to vector<16xi32>
      %add3A_226 = arith.addi %get3A_223, %add3A_225 : vector<16xi32>
      %gather3A_227 = tpu.vector_load_idx %arg8[%add3A_226] : memref<26000xf32, #tpu.memory_space<vmem>>[vector<16xi32>], vector<16xf32>,
      %add3A_228 = arith.addf %add3A_219, %gather3A_227 : vector<16xf32>
      %get3A_229 = arith.constant 24 : i32
      %get3A_230 = arith.index_cast %get3A_229 : i32 to index
      %get3A_231 = arith.index_cast %multiple_of3A : i32 to index
      %get3A_232 = tpu.vector_load %arg7[%get3A_230, %get3A_231] {strides = array<i32>} : memref<26x512xi32, #tpu.memory_space<vmem>>, vector<16xi32>,
      %add3A_233 = arith.constant 24000 : i32
      %add3A_234 = vector.broadcast %add3A_233 : i32 to vector<16xi32>
      %add3A_235 = arith.addi %get3A_232, %add3A_234 : vector<16xi32>
      %gather3A_236 = tpu.vector_load_idx %arg8[%add3A_235] : memref<26000xf32, #tpu.memory_space<vmem>>[vector<16xi32>], vector<16xf32>,
      %add3A_237 = arith.addf %add3A_228, %gather3A_236 : vector<16xf32>
      %get3A_238 = arith.constant 25 : i32
      %get3A_239 = arith.index_cast %get3A_238 : i32 to index
      %get3A_240 = arith.index_cast %multiple_of3A : i32 to index
      %get3A_241 = tpu.vector_load %arg7[%get3A_239, %get3A_240] {strides = array<i32>} : memref<26x512xi32, #tpu.memory_space<vmem>>, vector<16xi32>,
      %add3A_242 = arith.constant 25000 : i32
      %add3A_243 = vector.broadcast %add3A_242 : i32 to vector<16xi32>
      %add3A_244 = arith.addi %get3A_241, %add3A_243 : vector<16xi32>
      %gather3A_245 = tpu.vector_load_idx %arg8[%add3A_244] : memref<26000xf32, #tpu.memory_space<vmem>>[vector<16xi32>], vector<16xf32>,
      %add3A_246 = arith.addf %add3A_237, %gather3A_245 : vector<16xf32>
      %swap3A = arith.index_cast %multiple_of3A : i32 to index
      %swap3A_247 = tpu.vector_load %arg10[%swap3A] {strides = array<i32>} : memref<512xf32, #tpu.memory_space<vmem>>, vector<16xf32>,
      tpu.vector_store %arg10[%swap3A], %add3A_246 {strides = array<i32>} : memref<512xf32, #tpu.memory_space<vmem>>, vector<16xf32>,
      %mul3A_248 = arith.constant 256 : i32
      %mul3A_249 = arith.muli %scan3A_10, %mul3A_248 : i32
      %multiple_of3A_250 = tpu.assume_multiple %mul3A_249, 16 : i32
      %get3A_251 = arith.constant 0 : i32
      %get3A_252 = arith.index_cast %get3A_251 : i32 to index
      %get3A_253 = arith.index_cast %multiple_of3A : i32 to index
      %get3A_254 = tpu.vector_load %arg7[%get3A_252, %get3A_253] {strides = array<i32>} : memref<26x512xi32, #tpu.memory_space<vmem>>, vector<16xi32>,
      %get3A_255 = arith.constant 1 : i32
      %get3A_256 = arith.index_cast %get3A_255 : i32 to index
      %get3A_257 = arith.index_cast %multiple_of3A : i32 to index
      %get3A_258 = tpu.vector_load %arg7[%get3A_256, %get3A_257] {strides = array<i32>} : memref<26x512xi32, #tpu.memory_space<vmem>>, vector<16xi32>,
      %mul3A_259 = arith.constant 1000 : i32
      %mul3A_260 = vector.broadcast %mul3A_259 : i32 to vector<16xi32>
      %mul3A_261 = arith.muli %get3A_254, %mul3A_260 : vector<16xi32>
      %add3A_262 = arith.addi %mul3A_261, %get3A_258 : vector<16xi32>
      %add3A_263 = arith.constant 0 : i32
      %add3A_264 = vector.broadcast %add3A_263 : i32 to vector<16xi32>
      %add3A_265 = arith.addi %add3A_262, %add3A_264 : vector<16xi32>
      %add3A_266 = arith.constant 0 : i32
      %add3A_267 = arith.addi %multiple_of3A_250, %add3A_266 : i32
      %swap3A_268 = arith.index_cast %add3A_267 : i32 to index
      %swap3A_269 = tpu.vector_load %arg9[%swap3A_268] {strides = array<i32>} : memref<8192xi32, #tpu.memory_space<vmem>>, vector<16xi32>,
      tpu.vector_store %arg9[%swap3A_268], %add3A_265 {strides = array<i32>} : memref<8192xi32, #tpu.memory_space<vmem>>, vector<16xi32>,
      %get3A_270 = arith.constant 2 : i32
      %get3A_271 = arith.index_cast %get3A_270 : i32 to index
      %get3A_272 = arith.index_cast %multiple_of3A : i32 to index
      %get3A_273 = tpu.vector_load %arg7[%get3A_271, %get3A_272] {strides = array<i32>} : memref<26x512xi32, #tpu.memory_space<vmem>>, vector<16xi32>,
      %get3A_274 = arith.constant 3 : i32
      %get3A_275 = arith.index_cast %get3A_274 : i32 to index
      %get3A_276 = arith.index_cast %multiple_of3A : i32 to index
      %get3A_277 = tpu.vector_load %arg7[%get3A_275, %get3A_276] {strides = array<i32>} : memref<26x512xi32, #tpu.memory_space<vmem>>, vector<16xi32>,
      %mul3A_278 = arith.constant 1000 : i32
      %mul3A_279 = vector.broadcast %mul3A_278 : i32 to vector<16xi32>
      %mul3A_280 = arith.muli %get3A_273, %mul3A_279 : vector<16xi32>
      %add3A_281 = arith.addi %mul3A_280, %get3A_277 : vector<16xi32>
      %add3A_282 = arith.constant 1000000 : i32
      %add3A_283 = vector.broadcast %add3A_282 : i32 to vector<16xi32>
      %add3A_284 = arith.addi %add3A_281, %add3A_283 : vector<16xi32>
      %add3A_285 = arith.constant 16 : i32
      %add3A_286 = arith.addi %multiple_of3A_250, %add3A_285 : i32
      %swap3A_287 = arith.index_cast %add3A_286 : i32 to index
      %swap3A_288 = tpu.vector_load %arg9[%swap3A_287] {strides = array<i32>} : memref<8192xi32, #tpu.memory_space<vmem>>, vector<16xi32>,
      tpu.vector_store %arg9[%swap3A_287], %add3A_284 {strides = array<i32>} : memref<8192xi32, #tpu.memory_space<vmem>>, vector<16xi32>,
      %get3A_289 = arith.constant 4 : i32
      %get3A_290 = arith.index_cast %get3A_289 : i32 to index
      %get3A_291 = arith.index_cast %multiple_of3A : i32 to index
      %get3A_292 = tpu.vector_load %arg7[%get3A_290, %get3A_291] {strides = array<i32>} : memref<26x512xi32, #tpu.memory_space<vmem>>, vector<16xi32>,
      %get3A_293 = arith.constant 5 : i32
      %get3A_294 = arith.index_cast %get3A_293 : i32 to index
      %get3A_295 = arith.index_cast %multiple_of3A : i32 to index
      %get3A_296 = tpu.vector_load %arg7[%get3A_294, %get3A_295] {strides = array<i32>} : memref<26x512xi32, #tpu.memory_space<vmem>>, vector<16xi32>,
      %mul3A_297 = arith.constant 1000 : i32
      %mul3A_298 = vector.broadcast %mul3A_297 : i32 to vector<16xi32>
      %mul3A_299 = arith.muli %get3A_292, %mul3A_298 : vector<16xi32>
      %add3A_300 = arith.addi %mul3A_299, %get3A_296 : vector<16xi32>
      %add3A_301 = arith.constant 2000000 : i32
      %add3A_302 = vector.broadcast %add3A_301 : i32 to vector<16xi32>
      %add3A_303 = arith.addi %add3A_300, %add3A_302 : vector<16xi32>
      %add3A_304 = arith.constant 32 : i32
      %add3A_305 = arith.addi %multiple_of3A_250, %add3A_304 : i32
      %swap3A_306 = arith.index_cast %add3A_305 : i32 to index
      %swap3A_307 = tpu.vector_load %arg9[%swap3A_306] {strides = array<i32>} : memref<8192xi32, #tpu.memory_space<vmem>>, vector<16xi32>,
      tpu.vector_store %arg9[%swap3A_306], %add3A_303 {strides = array<i32>} : memref<8192xi32, #tpu.memory_space<vmem>>, vector<16xi32>,
      %get3A_308 = arith.constant 6 : i32
      %get3A_309 = arith.index_cast %get3A_308 : i32 to index
      %get3A_310 = arith.index_cast %multiple_of3A : i32 to index
      %get3A_311 = tpu.vector_load %arg7[%get3A_309, %get3A_310] {strides = array<i32>} : memref<26x512xi32, #tpu.memory_space<vmem>>, vector<16xi32>,
      %get3A_312 = arith.constant 7 : i32
      %get3A_313 = arith.index_cast %get3A_312 : i32 to index
      %get3A_314 = arith.index_cast %multiple_of3A : i32 to index
      %get3A_315 = tpu.vector_load %arg7[%get3A_313, %get3A_314] {strides = array<i32>} : memref<26x512xi32, #tpu.memory_space<vmem>>, vector<16xi32>,
      %mul3A_316 = arith.constant 1000 : i32
      %mul3A_317 = vector.broadcast %mul3A_316 : i32 to vector<16xi32>
      %mul3A_318 = arith.muli %get3A_311, %mul3A_317 : vector<16xi32>
      %add3A_319 = arith.addi %mul3A_318, %get3A_315 : vector<16xi32>
      %add3A_320 = arith.constant 3000000 : i32
      %add3A_321 = vector.broadcast %add3A_320 : i32 to vector<16xi32>
      %add3A_322 = arith.addi %add3A_319, %add3A_321 : vector<16xi32>
      %add3A_323 = arith.constant 48 : i32
      %add3A_324 = arith.addi %multiple_of3A_250, %add3A_323 : i32
      %swap3A_325 = arith.index_cast %add3A_324 : i32 to index
      %swap3A_326 = tpu.vector_load %arg9[%swap3A_325] {strides = array<i32>} : memref<8192xi32, #tpu.memory_space<vmem>>, vector<16xi32>,
      tpu.vector_store %arg9[%swap3A_325], %add3A_322 {strides = array<i32>} : memref<8192xi32, #tpu.memory_space<vmem>>, vector<16xi32>,
      %get3A_327 = arith.constant 8 : i32
      %get3A_328 = arith.index_cast %get3A_327 : i32 to index
      %get3A_329 = arith.index_cast %multiple_of3A : i32 to index
      %get3A_330 = tpu.vector_load %arg7[%get3A_328, %get3A_329] {strides = array<i32>} : memref<26x512xi32, #tpu.memory_space<vmem>>, vector<16xi32>,
      %get3A_331 = arith.constant 9 : i32
      %get3A_332 = arith.index_cast %get3A_331 : i32 to index
      %get3A_333 = arith.index_cast %multiple_of3A : i32 to index
      %get3A_334 = tpu.vector_load %arg7[%get3A_332, %get3A_333] {strides = array<i32>} : memref<26x512xi32, #tpu.memory_space<vmem>>, vector<16xi32>,
      %mul3A_335 = arith.constant 1000 : i32
      %mul3A_336 = vector.broadcast %mul3A_335 : i32 to vector<16xi32>
      %mul3A_337 = arith.muli %get3A_330, %mul3A_336 : vector<16xi32>
      %add3A_338 = arith.addi %mul3A_337, %get3A_334 : vector<16xi32>
      %add3A_339 = arith.constant 4000000 : i32
      %add3A_340 = vector.broadcast %add3A_339 : i32 to vector<16xi32>
      %add3A_341 = arith.addi %add3A_338, %add3A_340 : vector<16xi32>
      %add3A_342 = arith.constant 64 : i32
      %add3A_343 = arith.addi %multiple_of3A_250, %add3A_342 : i32
      %swap3A_344 = arith.index_cast %add3A_343 : i32 to index
      %swap3A_345 = tpu.vector_load %arg9[%swap3A_344] {strides = array<i32>} : memref<8192xi32, #tpu.memory_space<vmem>>, vector<16xi32>,
      tpu.vector_store %arg9[%swap3A_344], %add3A_341 {strides = array<i32>} : memref<8192xi32, #tpu.memory_space<vmem>>, vector<16xi32>,
      %get3A_346 = arith.constant 10 : i32
      %get3A_347 = arith.index_cast %get3A_346 : i32 to index
      %get3A_348 = arith.index_cast %multiple_of3A : i32 to index
      %get3A_349 = tpu.vector_load %arg7[%get3A_347, %get3A_348] {strides = array<i32>} : memref<26x512xi32, #tpu.memory_space<vmem>>, vector<16xi32>,
      %get3A_350 = arith.constant 11 : i32
      %get3A_351 = arith.index_cast %get3A_350 : i32 to index
      %get3A_352 = arith.index_cast %multiple_of3A : i32 to index
      %get3A_353 = tpu.vector_load %arg7[%get3A_351, %get3A_352] {strides = array<i32>} : memref<26x512xi32, #tpu.memory_space<vmem>>, vector<16xi32>,
      %mul3A_354 = arith.constant 1000 : i32
      %mul3A_355 = vector.broadcast %mul3A_354 : i32 to vector<16xi32>
      %mul3A_356 = arith.muli %get3A_349, %mul3A_355 : vector<16xi32>
      %add3A_357 = arith.addi %mul3A_356, %get3A_353 : vector<16xi32>
      %add3A_358 = arith.constant 5000000 : i32
      %add3A_359 = vector.broadcast %add3A_358 : i32 to vector<16xi32>
      %add3A_360 = arith.addi %add3A_357, %add3A_359 : vector<16xi32>
      %add3A_361 = arith.constant 80 : i32
      %add3A_362 = arith.addi %multiple_of3A_250, %add3A_361 : i32
      %swap3A_363 = arith.index_cast %add3A_362 : i32 to index
      %swap3A_364 = tpu.vector_load %arg9[%swap3A_363] {strides = array<i32>} : memref<8192xi32, #tpu.memory_space<vmem>>, vector<16xi32>,
      tpu.vector_store %arg9[%swap3A_363], %add3A_360 {strides = array<i32>} : memref<8192xi32, #tpu.memory_space<vmem>>, vector<16xi32>,
      %get3A_365 = arith.constant 12 : i32
      %get3A_366 = arith.index_cast %get3A_365 : i32 to index
      %get3A_367 = arith.index_cast %multiple_of3A : i32 to index
      %get3A_368 = tpu.vector_load %arg7[%get3A_366, %get3A_367] {strides = array<i32>} : memref<26x512xi32, #tpu.memory_space<vmem>>, vector<16xi32>,
      %get3A_369 = arith.constant 13 : i32
      %get3A_370 = arith.index_cast %get3A_369 : i32 to index
      %get3A_371 = arith.index_cast %multiple_of3A : i32 to index
      %get3A_372 = tpu.vector_load %arg7[%get3A_370, %get3A_371] {strides = array<i32>} : memref<26x512xi32, #tpu.memory_space<vmem>>, vector<16xi32>,
      %mul3A_373 = arith.constant 1000 : i32
      %mul3A_374 = vector.broadcast %mul3A_373 : i32 to vector<16xi32>
      %mul3A_375 = arith.muli %get3A_368, %mul3A_374 : vector<16xi32>
      %add3A_376 = arith.addi %mul3A_375, %get3A_372 : vector<16xi32>
      %add3A_377 = arith.constant 6000000 : i32
      %add3A_378 = vector.broadcast %add3A_377 : i32 to vector<16xi32>
      %add3A_379 = arith.addi %add3A_376, %add3A_378 : vector<16xi32>
      %add3A_380 = arith.constant 96 : i32
      %add3A_381 = arith.addi %multiple_of3A_250, %add3A_380 : i32
      %swap3A_382 = arith.index_cast %add3A_381 : i32 to index
      %swap3A_383 = tpu.vector_load %arg9[%swap3A_382] {strides = array<i32>} : memref<8192xi32, #tpu.memory_space<vmem>>, vector<16xi32>,
      tpu.vector_store %arg9[%swap3A_382], %add3A_379 {strides = array<i32>} : memref<8192xi32, #tpu.memory_space<vmem>>, vector<16xi32>,
      %get3A_384 = arith.constant 14 : i32
      %get3A_385 = arith.index_cast %get3A_384 : i32 to index
      %get3A_386 = arith.index_cast %multiple_of3A : i32 to index
      %get3A_387 = tpu.vector_load %arg7[%get3A_385, %get3A_386] {strides = array<i32>} : memref<26x512xi32, #tpu.memory_space<vmem>>, vector<16xi32>,
      %get3A_388 = arith.constant 15 : i32
      %get3A_389 = arith.index_cast %get3A_388 : i32 to index
      %get3A_390 = arith.index_cast %multiple_of3A : i32 to index
      %get3A_391 = tpu.vector_load %arg7[%get3A_389, %get3A_390] {strides = array<i32>} : memref<26x512xi32, #tpu.memory_space<vmem>>, vector<16xi32>,
      %mul3A_392 = arith.constant 1000 : i32
      %mul3A_393 = vector.broadcast %mul3A_392 : i32 to vector<16xi32>
      %mul3A_394 = arith.muli %get3A_387, %mul3A_393 : vector<16xi32>
      %add3A_395 = arith.addi %mul3A_394, %get3A_391 : vector<16xi32>
      %add3A_396 = arith.constant 7000000 : i32
      %add3A_397 = vector.broadcast %add3A_396 : i32 to vector<16xi32>
      %add3A_398 = arith.addi %add3A_395, %add3A_397 : vector<16xi32>
      %add3A_399 = arith.constant 112 : i32
      %add3A_400 = arith.addi %multiple_of3A_250, %add3A_399 : i32
      %swap3A_401 = arith.index_cast %add3A_400 : i32 to index
      %swap3A_402 = tpu.vector_load %arg9[%swap3A_401] {strides = array<i32>} : memref<8192xi32, #tpu.memory_space<vmem>>, vector<16xi32>,
      tpu.vector_store %arg9[%swap3A_401], %add3A_398 {strides = array<i32>} : memref<8192xi32, #tpu.memory_space<vmem>>, vector<16xi32>,
      %get3A_403 = arith.constant 16 : i32
      %get3A_404 = arith.index_cast %get3A_403 : i32 to index
      %get3A_405 = arith.index_cast %multiple_of3A : i32 to index
      %get3A_406 = tpu.vector_load %arg7[%get3A_404, %get3A_405] {strides = array<i32>} : memref<26x512xi32, #tpu.memory_space<vmem>>, vector<16xi32>,
      %get3A_407 = arith.constant 17 : i32
      %get3A_408 = arith.index_cast %get3A_407 : i32 to index
      %get3A_409 = arith.index_cast %multiple_of3A : i32 to index
      %get3A_410 = tpu.vector_load %arg7[%get3A_408, %get3A_409] {strides = array<i32>} : memref<26x512xi32, #tpu.memory_space<vmem>>, vector<16xi32>,
      %mul3A_411 = arith.constant 1000 : i32
      %mul3A_412 = vector.broadcast %mul3A_411 : i32 to vector<16xi32>
      %mul3A_413 = arith.muli %get3A_406, %mul3A_412 : vector<16xi32>
      %add3A_414 = arith.addi %mul3A_413, %get3A_410 : vector<16xi32>
      %add3A_415 = arith.constant 8000000 : i32
      %add3A_416 = vector.broadcast %add3A_415 : i32 to vector<16xi32>
      %add3A_417 = arith.addi %add3A_414, %add3A_416 : vector<16xi32>
      %add3A_418 = arith.constant 128 : i32
      %add3A_419 = arith.addi %multiple_of3A_250, %add3A_418 : i32
      %swap3A_420 = arith.index_cast %add3A_419 : i32 to index
      %swap3A_421 = tpu.vector_load %arg9[%swap3A_420] {strides = array<i32>} : memref<8192xi32, #tpu.memory_space<vmem>>, vector<16xi32>,
      tpu.vector_store %arg9[%swap3A_420], %add3A_417 {strides = array<i32>} : memref<8192xi32, #tpu.memory_space<vmem>>, vector<16xi32>,
      %get3A_422 = arith.constant 18 : i32
      %get3A_423 = arith.index_cast %get3A_422 : i32 to index
      %get3A_424 = arith.index_cast %multiple_of3A : i32 to index
      %get3A_425 = tpu.vector_load %arg7[%get3A_423, %get3A_424] {strides = array<i32>} : memref<26x512xi32, #tpu.memory_space<vmem>>, vector<16xi32>,
      %get3A_426 = arith.constant 19 : i32
      %get3A_427 = arith.index_cast %get3A_426 : i32 to index
      %get3A_428 = arith.index_cast %multiple_of3A : i32 to index
      %get3A_429 = tpu.vector_load %arg7[%get3A_427, %get3A_428] {strides = array<i32>} : memref<26x512xi32, #tpu.memory_space<vmem>>, vector<16xi32>,
      %mul3A_430 = arith.constant 1000 : i32
      %mul3A_431 = vector.broadcast %mul3A_430 : i32 to vector<16xi32>
      %mul3A_432 = arith.muli %get3A_425, %mul3A_431 : vector<16xi32>
      %add3A_433 = arith.addi %mul3A_432, %get3A_429 : vector<16xi32>
      %add3A_434 = arith.constant 9000000 : i32
      %add3A_435 = vector.broadcast %add3A_434 : i32 to vector<16xi32>
      %add3A_436 = arith.addi %add3A_433, %add3A_435 : vector<16xi32>
      %add3A_437 = arith.constant 144 : i32
      %add3A_438 = arith.addi %multiple_of3A_250, %add3A_437 : i32
      %swap3A_439 = arith.index_cast %add3A_438 : i32 to index
      %swap3A_440 = tpu.vector_load %arg9[%swap3A_439] {strides = array<i32>} : memref<8192xi32, #tpu.memory_space<vmem>>, vector<16xi32>,
      tpu.vector_store %arg9[%swap3A_439], %add3A_436 {strides = array<i32>} : memref<8192xi32, #tpu.memory_space<vmem>>, vector<16xi32>,
      %get3A_441 = arith.constant 20 : i32
      %get3A_442 = arith.index_cast %get3A_441 : i32 to index
      %get3A_443 = arith.index_cast %multiple_of3A : i32 to index
      %get3A_444 = tpu.vector_load %arg7[%get3A_442, %get3A_443] {strides = array<i32>} : memref<26x512xi32, #tpu.memory_space<vmem>>, vector<16xi32>,
      %get3A_445 = arith.constant 21 : i32
      %get3A_446 = arith.index_cast %get3A_445 : i32 to index
      %get3A_447 = arith.index_cast %multiple_of3A : i32 to index
      %get3A_448 = tpu.vector_load %arg7[%get3A_446, %get3A_447] {strides = array<i32>} : memref<26x512xi32, #tpu.memory_space<vmem>>, vector<16xi32>,
      %mul3A_449 = arith.constant 1000 : i32
      %mul3A_450 = vector.broadcast %mul3A_449 : i32 to vector<16xi32>
      %mul3A_451 = arith.muli %get3A_444, %mul3A_450 : vector<16xi32>
      %add3A_452 = arith.addi %mul3A_451, %get3A_448 : vector<16xi32>
      %add3A_453 = arith.constant 10000000 : i32
      %add3A_454 = vector.broadcast %add3A_453 : i32 to vector<16xi32>
      %add3A_455 = arith.addi %add3A_452, %add3A_454 : vector<16xi32>
      %add3A_456 = arith.constant 160 : i32
      %add3A_457 = arith.addi %multiple_of3A_250, %add3A_456 : i32
      %swap3A_458 = arith.index_cast %add3A_457 : i32 to index
      %swap3A_459 = tpu.vector_load %arg9[%swap3A_458] {strides = array<i32>} : memref<8192xi32, #tpu.memory_space<vmem>>, vector<16xi32>,
      tpu.vector_store %arg9[%swap3A_458], %add3A_455 {strides = array<i32>} : memref<8192xi32, #tpu.memory_space<vmem>>, vector<16xi32>,
      %get3A_460 = arith.constant 22 : i32
      %get3A_461 = arith.index_cast %get3A_460 : i32 to index
      %get3A_462 = arith.index_cast %multiple_of3A : i32 to index
      %get3A_463 = tpu.vector_load %arg7[%get3A_461, %get3A_462] {strides = array<i32>} : memref<26x512xi32, #tpu.memory_space<vmem>>, vector<16xi32>,
      %get3A_464 = arith.constant 23 : i32
      %get3A_465 = arith.index_cast %get3A_464 : i32 to index
      %get3A_466 = arith.index_cast %multiple_of3A : i32 to index
      %get3A_467 = tpu.vector_load %arg7[%get3A_465, %get3A_466] {strides = array<i32>} : memref<26x512xi32, #tpu.memory_space<vmem>>, vector<16xi32>,
      %mul3A_468 = arith.constant 1000 : i32
      %mul3A_469 = vector.broadcast %mul3A_468 : i32 to vector<16xi32>
      %mul3A_470 = arith.muli %get3A_463, %mul3A_469 : vector<16xi32>
      %add3A_471 = arith.addi %mul3A_470, %get3A_467 : vector<16xi32>
      %add3A_472 = arith.constant 11000000 : i32
      %add3A_473 = vector.broadcast %add3A_472 : i32 to vector<16xi32>
      %add3A_474 = arith.addi %add3A_471, %add3A_473 : vector<16xi32>
      %add3A_475 = arith.constant 176 : i32
      %add3A_476 = arith.addi %multiple_of3A_250, %add3A_475 : i32
      %swap3A_477 = arith.index_cast %add3A_476 : i32 to index
      %swap3A_478 = tpu.vector_load %arg9[%swap3A_477] {strides = array<i32>} : memref<8192xi32, #tpu.memory_space<vmem>>, vector<16xi32>,
      tpu.vector_store %arg9[%swap3A_477], %add3A_474 {strides = array<i32>} : memref<8192xi32, #tpu.memory_space<vmem>>, vector<16xi32>,
      %get3A_479 = arith.constant 24 : i32
      %get3A_480 = arith.index_cast %get3A_479 : i32 to index
      %get3A_481 = arith.index_cast %multiple_of3A : i32 to index
      %get3A_482 = tpu.vector_load %arg7[%get3A_480, %get3A_481] {strides = array<i32>} : memref<26x512xi32, #tpu.memory_space<vmem>>, vector<16xi32>,
      %get3A_483 = arith.constant 25 : i32
      %get3A_484 = arith.index_cast %get3A_483 : i32 to index
      %get3A_485 = arith.index_cast %multiple_of3A : i32 to index
      %get3A_486 = tpu.vector_load %arg7[%get3A_484, %get3A_485] {strides = array<i32>} : memref<26x512xi32, #tpu.memory_space<vmem>>, vector<16xi32>,
      %mul3A_487 = arith.constant 1000 : i32
      %mul3A_488 = vector.broadcast %mul3A_487 : i32 to vector<16xi32>
      %mul3A_489 = arith.muli %get3A_482, %mul3A_488 : vector<16xi32>
      %add3A_490 = arith.addi %mul3A_489, %get3A_486 : vector<16xi32>
      %add3A_491 = arith.constant 12000000 : i32
      %add3A_492 = vector.broadcast %add3A_491 : i32 to vector<16xi32>
      %add3A_493 = arith.addi %add3A_490, %add3A_492 : vector<16xi32>
      %add3A_494 = arith.constant 192 : i32
      %add3A_495 = arith.addi %multiple_of3A_250, %add3A_494 : i32
      %swap3A_496 = arith.index_cast %add3A_495 : i32 to index
      %swap3A_497 = tpu.vector_load %arg9[%swap3A_496] {strides = array<i32>} : memref<8192xi32, #tpu.memory_space<vmem>>, vector<16xi32>,
      tpu.vector_store %arg9[%swap3A_496], %add3A_493 {strides = array<i32>} : memref<8192xi32, #tpu.memory_space<vmem>>, vector<16xi32>,
      %get3A_498 = arith.constant 0 : i32
      %get3A_499 = arith.index_cast %get3A_498 : i32 to index
      %get3A_500 = arith.index_cast %multiple_of3A : i32 to index
      %get3A_501 = tpu.vector_load %arg7[%get3A_499, %get3A_500] {strides = array<i32>} : memref<26x512xi32, #tpu.memory_space<vmem>>, vector<16xi32>,
      %get3A_502 = arith.constant 2 : i32
      %get3A_503 = arith.index_cast %get3A_502 : i32 to index
      %get3A_504 = arith.index_cast %multiple_of3A : i32 to index
      %get3A_505 = tpu.vector_load %arg7[%get3A_503, %get3A_504] {strides = array<i32>} : memref<26x512xi32, #tpu.memory_space<vmem>>, vector<16xi32>,
      %mul3A_506 = arith.constant 1000 : i32
      %mul3A_507 = vector.broadcast %mul3A_506 : i32 to vector<16xi32>
      %mul3A_508 = arith.muli %get3A_501, %mul3A_507 : vector<16xi32>
      %add3A_509 = arith.addi %mul3A_508, %get3A_505 : vector<16xi32>
      %add3A_510 = arith.constant 13000000 : i32
      %add3A_511 = vector.broadcast %add3A_510 : i32 to vector<16xi32>
      %add3A_512 = arith.addi %add3A_509, %add3A_511 : vector<16xi32>
      %add3A_513 = arith.constant 208 : i32
      %add3A_514 = arith.addi %multiple_of3A_250, %add3A_513 : i32
      %swap3A_515 = arith.index_cast %add3A_514 : i32 to index
      %swap3A_516 = tpu.vector_load %arg9[%swap3A_515] {strides = array<i32>} : memref<8192xi32, #tpu.memory_space<vmem>>, vector<16xi32>,
      tpu.vector_store %arg9[%swap3A_515], %add3A_512 {strides = array<i32>} : memref<8192xi32, #tpu.memory_space<vmem>>, vector<16xi32>,
      %get3A_517 = arith.constant 1 : i32
      %get3A_518 = arith.index_cast %get3A_517 : i32 to index
      %get3A_519 = arith.index_cast %multiple_of3A : i32 to index
      %get3A_520 = tpu.vector_load %arg7[%get3A_518, %get3A_519] {strides = array<i32>} : memref<26x512xi32, #tpu.memory_space<vmem>>, vector<16xi32>,
      %get3A_521 = arith.constant 3 : i32
      %get3A_522 = arith.index_cast %get3A_521 : i32 to index
      %get3A_523 = arith.index_cast %multiple_of3A : i32 to index
      %get3A_524 = tpu.vector_load %arg7[%get3A_522, %get3A_523] {strides = array<i32>} : memref<26x512xi32, #tpu.memory_space<vmem>>, vector<16xi32>,
      %mul3A_525 = arith.constant 1000 : i32
      %mul3A_526 = vector.broadcast %mul3A_525 : i32 to vector<16xi32>
      %mul3A_527 = arith.muli %get3A_520, %mul3A_526 : vector<16xi32>
      %add3A_528 = arith.addi %mul3A_527, %get3A_524 : vector<16xi32>
      %add3A_529 = arith.constant 14000000 : i32
      %add3A_530 = vector.broadcast %add3A_529 : i32 to vector<16xi32>
      %add3A_531 = arith.addi %add3A_528, %add3A_530 : vector<16xi32>
      %add3A_532 = arith.constant 224 : i32
      %add3A_533 = arith.addi %multiple_of3A_250, %add3A_532 : i32
      %swap3A_534 = arith.index_cast %add3A_533 : i32 to index
      %swap3A_535 = tpu.vector_load %arg9[%swap3A_534] {strides = array<i32>} : memref<8192xi32, #tpu.memory_space<vmem>>, vector<16xi32>,
      tpu.vector_store %arg9[%swap3A_534], %add3A_531 {strides = array<i32>} : memref<8192xi32, #tpu.memory_space<vmem>>, vector<16xi32>,
      %get3A_536 = arith.constant 4 : i32
      %get3A_537 = arith.index_cast %get3A_536 : i32 to index
      %get3A_538 = arith.index_cast %multiple_of3A : i32 to index
      %get3A_539 = tpu.vector_load %arg7[%get3A_537, %get3A_538] {strides = array<i32>} : memref<26x512xi32, #tpu.memory_space<vmem>>, vector<16xi32>,
      %get3A_540 = arith.constant 6 : i32
      %get3A_541 = arith.index_cast %get3A_540 : i32 to index
      %get3A_542 = arith.index_cast %multiple_of3A : i32 to index
      %get3A_543 = tpu.vector_load %arg7[%get3A_541, %get3A_542] {strides = array<i32>} : memref<26x512xi32, #tpu.memory_space<vmem>>, vector<16xi32>,
      %mul3A_544 = arith.constant 1000 : i32
      %mul3A_545 = vector.broadcast %mul3A_544 : i32 to vector<16xi32>
      %mul3A_546 = arith.muli %get3A_539, %mul3A_545 : vector<16xi32>
      %add3A_547 = arith.addi %mul3A_546, %get3A_543 : vector<16xi32>
      %add3A_548 = arith.constant 15000000 : i32
      %add3A_549 = vector.broadcast %add3A_548 : i32 to vector<16xi32>
      %add3A_550 = arith.addi %add3A_547, %add3A_549 : vector<16xi32>
      %add3A_551 = arith.constant 240 : i32
      %add3A_552 = arith.addi %multiple_of3A_250, %add3A_551 : i32
      %swap3A_553 = arith.index_cast %add3A_552 : i32 to index
      %swap3A_554 = tpu.vector_load %arg9[%swap3A_553] {strides = array<i32>} : memref<8192xi32, #tpu.memory_space<vmem>>, vector<16xi32>,
      tpu.vector_store %arg9[%swap3A_553], %add3A_550 {strides = array<i32>} : memref<8192xi32, #tpu.memory_space<vmem>>, vector<16xi32>,
    }
    %scan3A_7 = arith.constant 32 : i32
    "tpu.region"() ({
      %run_scoped3A = tpu.sem_alloc : memref<!tpu.dma_semaphore, #tpu.memory_space<semaphore_mem>>
      %dma_start3A = tpu.memref_slice %arg5[%mul3A_2] : memref<16384xf32, #tpu.memory_space<hbm>> -> memref<512xf32, #tpu.memory_space<hbm>>
      %dma_start3A_10 = tpu.memref_slice %arg5[%mul3A_2] : memref<16384xf32, #tpu.memory_space<hbm>> -> memref<512xf32, #tpu.memory_space<hbm>>
      tpu.enqueue_dma source(%arg10 : memref<512xf32, #tpu.memory_space<vmem>>) target(%dma_start3A_10 : memref<512xf32, #tpu.memory_space<hbm>>) target_semaphore(%run_scoped3A : memref<!tpu.dma_semaphore, #tpu.memory_space<semaphore_mem>>)
      %dma_wait3A = tpu.memref_slice %arg5[%mul3A_2] : memref<16384xf32, #tpu.memory_space<hbm>> -> memref<512xf32, #tpu.memory_space<hbm>>
      %dma_wait3A_11 = tpu.memref_slice %arg5[%mul3A_2] : memref<16384xf32, #tpu.memory_space<hbm>> -> memref<512xf32, #tpu.memory_space<hbm>>
      tpu.wait_dma2 semaphore(%run_scoped3A : memref<!tpu.dma_semaphore, #tpu.memory_space<semaphore_mem>>) src(%arg10 : memref<512xf32, #tpu.memory_space<vmem>>) dst(%dma_wait3A_11 : memref<512xf32, #tpu.memory_space<hbm>>)
      tpu.yield
    }) : () -> ()
    %mul3A_8 = arith.constant 8192 : i32
    %mul3A_9 = arith.muli %add3A, %mul3A_8 : i32
    "tpu.region"() ({
      %run_scoped3A = tpu.sem_alloc : memref<!tpu.dma_semaphore, #tpu.memory_space<semaphore_mem>>
      %dma_start3A = tpu.memref_slice %arg6[%mul3A_9] : memref<262144xi32, #tpu.memory_space<hbm>> -> memref<8192xi32, #tpu.memory_space<hbm>>
      %dma_start3A_10 = tpu.memref_slice %arg6[%mul3A_9] : memref<262144xi32, #tpu.memory_space<hbm>> -> memref<8192xi32, #tpu.memory_space<hbm>>
      tpu.enqueue_dma source(%arg9 : memref<8192xi32, #tpu.memory_space<vmem>>) target(%dma_start3A_10 : memref<8192xi32, #tpu.memory_space<hbm>>) target_semaphore(%run_scoped3A : memref<!tpu.dma_semaphore, #tpu.memory_space<semaphore_mem>>)
      %dma_wait3A = tpu.memref_slice %arg6[%mul3A_9] : memref<262144xi32, #tpu.memory_space<hbm>> -> memref<8192xi32, #tpu.memory_space<hbm>>
      %dma_wait3A_11 = tpu.memref_slice %arg6[%mul3A_9] : memref<262144xi32, #tpu.memory_space<hbm>> -> memref<8192xi32, #tpu.memory_space<hbm>>
      tpu.wait_dma2 semaphore(%run_scoped3A : memref<!tpu.dma_semaphore, #tpu.memory_space<semaphore_mem>>) src(%arg9 : memref<8192xi32, #tpu.memory_space<vmem>>) dst(%dma_wait3A_11 : memref<8192xi32, #tpu.memory_space<hbm>>)
      tpu.yield
    }) : () -> ()
    return
  }
}

</mosaic_0001>

<sc_bundles>
// kernel: kernel.4.cloned.1.call-start
scs
__scs_entry_jumppad:
0x0: {  	(pc) =	sbr.rel $0x88, $3  }
0x1: {  	(tag) =	ssettag $0x0;
	lr =	simm.s32 $0x1  }
0x2: {  	[smem:$0x3F9D] =	sst lr;
	_ =	strace $0xD0000000  }
0x3: {  	_ = 	snop  }
0x4: {  	_ = 	snop  }
0x5: {  	_ = 	snop  }
0x6: {  	_ = 	snop  }
0x7: {  	_ = 	snop  }
__scs_overlays_trampoline_lowered:
0x8: {  	[smem:$0x3FAC] =	sst s0  }
0x9: {  	[smem:$0x3FAD] =	sst s1  }
0xa: {  	[smem:$0x3FAE] =	sst s2  }
0xb: {  	[smem:$0x3FAF] =	sst s3  }
0xc: {  	[smem:$0x3FB0] =	sst s4  }
0xd: {  	[smem:$0x3FB1] =	sst s5  }
0xe: {  	[smem:$0x3FB2] =	sst s6  }
0xf: {  	[smem:$0x3FB3] =	sst s7  }
0x10: {  	[smem:$0x3FB4] =	sst s8  }
0x11: {  	[smem:$0x3FB5] =	sst s9;
	s0 =	simm.s32 @!p0 $0x0  }
0x12: {  	s1 =	sld [smem:$0x3F9B];
	s0 =	simm.s32 @p0 $0x1  }
0x13: {  	[smem:$0x3FB6] =	sst s0;
	s0 =	simm.s32 @!p1 $0x0  }
0x14: {  	s2 =	sld [smem:$0x3F9A];
	s0 =	simm.s32 @p1 $0x1  }
0x15: {  	[smem:$0x3FB7] =	sst s0;
	s0 =	simm.s32 @!p2 $0x0  }
0x16: {  	s3 =	sld [smem:$0x3FDB];
	s0 =	simm.s32 @p2 $0x1  }
0x17: {  	s4 =	simm.s32 $0x1BF5;
	[smem:$0x3FB9] =	sst s0  }
0x18: {  	s0 =	sld [smem:$0x3F9C];
	_ =	swait.ge [sflag:s4], $0x0  }
0x19: {  	s7 =	sld [smem:$0x3F9D]  }
0x1a: {  	s8 =	sadd.s32 $0xFFFFE003, lr  }
0x1b: {  	s9 =	sadd.s32 $0xFFFFFEF7, lr;
	s5 =	simm.s32 $0xFFFFFFFF;
	p2 =	slt.u32 s8, $0xFFFFF086  }
0x1c: {  	p1 =	slt.u32 s9, $0xF7A;
	s5 =	simm.s32 @!p2 $0x0  }
0x1d: {  	s5 =	simm.s32 @p1 $0x1;
	p0 =	seq.s32 s7, s2  }
0x1e: {  	s7 =	smul.u32 @!p0 $0xF7A, s2;
	p2 =	seq.s32 @!p0 s5, $0x0  }
0x1f: {  	s9 =	smul.u32 $0xF7A, s1;
	s8 =	simm.s32 @!p0 $0x1BF5;
	p2 =	por !p2, p0  }
0x20: {  	[sflag:s8] =	ssyncset.s32 @!p0 $0xFFFFF086;
	s6 =	sadd.s32 @!p0 s3, s7;
	s7 =	simm.s32 @!p0 $0x108  }
0x21: {  	s3 =	sadd.s32 s3, s9;
	s6 =	sadd.s32 @!p0 $0x88, s6;
	s7 =	simm.s32 @p2 $0x1082  }
0x22: {  	[simem:s7], [sflag:s8] =	dma.local @!p0 [hbm:s6], $0xF7A  }
0x23: {  	s9 =	sor.u32 $0xD0000000, s2;
	s6 =	simm.s32 $0x108;
	_ =	swait.ge @!p0 [sflag:s8], $0x0  }
0x24: {  	s3 =	sadd.s32 $0x88, s3;
	s6 =	simm.s32 @!p1 $0x1082;
	[sflag:s4] =	ssyncset.s32 $0xFFFFF086  }
0x25: {  	[simem:s6], [sflag:s4] =	dma.local [hbm:s3], $0xF7A  }
0x26: {  	[smem:$0x3F9D] =	sst s1;
	(tag) =	ssettag s2;
	_ =	strace s9  }
0x27: {  	s1 =	sld [smem:$0x3FAD]  }
0x28: {  	s2 =	sld [smem:$0x3FAE]  }
0x29: {  	s4 =	sld [smem:$0x3FB0]  }
0x2a: {  	p0 =	seq.s32 s5, $0x0;
	s5 =	sld [smem:$0x3FB1]  }
0x2b: {  	s6 =	sld [smem:$0x3FB2]  }
0x2c: {  	s7 =	sld [smem:$0x3FB3]  }
0x2d: {  	s3 =	simm.s32 $0x108;
	s8 =	sld [smem:$0x3FB4]  }
0x2e: {  	s3 =	simm.s32 @!p0 $0x1082;
	s9 =	sld [smem:$0x3FB5]  }
0x2f: {  	lr =	sadd.s32 s0, s3;
	s0 =	sld [smem:$0x3FAC]  }
0x30: {  	s3 =	sld [smem:$0x3FAF]  }
0x31: {  	[smem:$0x3FB8] =	sst s10  }
0x32: {  	s10 =	sld [smem:$0x3FB6];
	_ =	sdelay $0x3  }
0x33: {  	p0 =	seq.s32 s10, $0x1;
	s10 =	sld [smem:$0x3FB8];
	_ =	sdelay $0x3  }
0x34: {  	[smem:$0x3FB8] =	sst s10  }
0x35: {  	s10 =	sld [smem:$0x3FB7];
	_ =	sdelay $0x3  }
0x36: {  	p1 =	seq.s32 s10, $0x1;
	s10 =	sld [smem:$0x3FB8];
	_ =	sdelay $0x3  }
0x37: {  	[smem:$0x3FB8] =	sst s10  }
0x38: {  	s10 =	sld [smem:$0x3FB9]  }
0x39: {  	_ = 	snop;
	(pc) =	sbr.ind lr, $3  }
0x3a: {  	_ = 	snop  }
0x3b: {  	_ = 	snop  }
0x3c: {  	p2 =	seq.s32 s10, $0x1;
	s10 =	sld [smem:$0x3FB8]  }
0x3d: {  	_ =	shalt  }
0x3e: {  	_ =	shalt  }
0x3f: {  	_ =	shalt  }
0x40: {  	_ =	shalt  }
0x41: {  	_ =	shalt  }
0x42: {  	_ =	shalt  }
0x43: {  	_ =	shalt  }
0x44: {  	_ =	shalt  }
0x45: {  	_ =	shalt  }
0x46: {  	_ =	shalt  }
0x47: {  	_ =	shalt  }
0x48: {  	_ =	shalt  }
0x49: {  	_ =	shalt  }
0x4a: {  	_ =	shalt  }
0x4b: {  	_ =	shalt  }
0x4c: {  	_ =	shalt  }
0x4d: {  	_ =	shalt  }
0x4e: {  	_ =	shalt  }
0x4f: {  	_ =	shalt  }
0x50: {  	_ =	shalt  }
0x51: {  	_ =	shalt  }
0x52: {  	_ =	shalt  }
0x53: {  	_ =	shalt  }
0x54: {  	_ =	shalt  }
0x55: {  	_ =	shalt  }
0x56: {  	_ =	shalt  }
0x57: {  	_ =	shalt  }
0x58: {  	_ =	shalt  }
0x59: {  	_ =	shalt  }
0x5a: {  	_ =	shalt  }
0x5b: {  	_ =	shalt  }
0x5c: {  	_ =	shalt  }
0x5d: {  	_ =	shalt  }
0x5e: {  	_ =	shalt  }
0x5f: {  	_ =	shalt  }
0x60: {  	_ =	shalt  }
0x61: {  	_ =	shalt  }
0x62: {  	_ =	shalt  }
0x63: {  	_ =	shalt  }
0x64: {  	_ =	shalt  }
0x65: {  	_ =	shalt  }
0x66: {  	_ =	shalt  }
0x67: {  	_ =	shalt  }
0x68: {  	_ =	shalt  }
0x69: {  	_ =	shalt  }
0x6a: {  	_ =	shalt  }
0x6b: {  	_ =	shalt  }
0x6c: {  	_ =	shalt  }
0x6d: {  	_ =	shalt  }
0x6e: {  	_ =	shalt  }
0x6f: {  	_ =	shalt  }
0x70: {  	_ =	shalt  }
0x71: {  	_ =	shalt  }
0x72: {  	_ =	shalt  }
0x73: {  	_ =	shalt  }
0x74: {  	_ =	shalt  }
0x75: {  	_ =	shalt  }
0x76: {  	_ =	shalt  }
0x77: {  	_ =	shalt  }
0x78: {  	_ =	shalt  }
0x79: {  	_ =	shalt  }
0x7a: {  	_ =	shalt  }
0x7b: {  	_ =	shalt  }
0x7c: {  	_ =	shalt  }
0x7d: {  	_ =	shalt  }
0x7e: {  	_ =	shalt  }
0x7f: {  	_ =	shalt  }
0x80: {  	_ =	shalt  }
0x81: {  	_ =	shalt  }
0x82: {  	_ =	shalt  }
0x83: {  	_ =	shalt  }
0x84: {  	_ =	shalt  }
0x85: {  	_ =	shalt  }
0x86: {  	_ =	shalt  }
0x87: {  	_ =	shalt  }
.Lfunc_end0:
.L_simem_size_0:
called_computation_lowered:
.L_overlay_start_0:
0x88: {  	s2 =	sld [smem:$0x3FD9]  }
0x89: {  	s3 =	sld [smem:$0x3FFE];
	_ =	sdelay $0x1  }
0x8a: {  	s1 =	srdreg.scid  }
0x8b: {  	s0 =	sand.u32 $0x1, s1  }
0x8c: {  	s17 =	sshll.u32 s0, $0xA;
	s2 =	sadd.s32 s3, s2  }
0x8d: {  	s2 =	sadd.s32 s2, s17  }
0x8e: {  	[smem:$0x3FC4] =	sst s2  }
0x8f: {  	_ = 	snop  }
0x90: {  	s2 =	sld [smem:$0x3FC9]  }
0x91: {  	s18 =	sld [smem:$0x3FD0];
	(tm) =	ssettm $0x1  }
0x92: {  	s4 =	sld [smem:$0x3FFB];
	_ =	sdelay $0x3  }
0x93: {  	_ =	strace s4  }
0x94: {  	s4 =	sld [smem:$0x3FFC];
	_ =	sdelay $0x3  }
0x95: {  	_ =	strace s4  }
0x96: {  	s4 =	sld [smem:$0x3FFD];
	_ =	sdelay $0x3  }
0x97: {  	_ =	strace s4  }
0x98: {  	_ =	strace $0x8FFFFFFF  }
0x99: {  	s19 =	sld [smem:$0x3FDB];
	_ =	sdelay $0x1  }
0x9a: {  	s5 =	simm.s32 $_scs_section_size  }
0x9b: {  	s6 =	simm.s32 $_size__tile_overlayer_lowered;
	s7 =	simm.s32 $_tile_overlayer_lowered  }
0x9c: {  	s22 =	simm.s32 $0x1BFF;
	s21 =	sshll.u32 s7, $0x1;
	s4 =	sadd.s32 s5, s19  }
0x9d: {  	s8 =	simm.s32 $0x0;
	s20 =	sshll.u32 s6, $0x1;
	s6 =	sadd.s32 s21, s4  }
0x9e: {  	[timem:s8], [sflag:s22] =	dma.local [hbm:s6], s20  }
0x9f: {  	_ =	swait.ge [sflag:s22], s20  }
0xa0: {  	s5 =	ssub.s32 $0x0, s20;
	[sflag:s22] =	ssyncset.done $0x0  }
0xa1: {  	[sflag:s22] =	ssyncadd.s32 s5;
	_ =	sdelay $0x1  }
0xa2: {  	s23 =	simm.s32 $0x1B8B  }
0xa3: {  	_ =	swait.ge [sflag:s23], $0x1  }
0xa4: {  	[sflag:s23] =	ssyncset.done $0x0  }
0xa5: {  	s25 =	simm.s32 $0x1B8E;
	s24 =	sld [smem:$0x3FFE];
	[sflag:s23] =	ssyncadd.s32 $0xFFFFFFFF  }
0xa6: {  	s26 =	simm.s32 $execute0_lowered;
	[smem:$0x3FD2] =	sst s25  }
0xa7: {  	s6 =	sshll.u32 s26, $0x1;
	_ =	strace $0x80000046;
	[dreg:$0x1] =	wrdreg $0xFFFFFFFF  }
0xa8: {  	s28 =	simm.s32 $_size_execute0_lowered;
	s4 =	sadd.s32 s4, s6;
	[dreg:$0x0] =	wrdreg $0x0  }
0xa9: {  	s6 =	sshll.u32 s28, $0x1;
	[dreg:$0x2] =	wrdreg s4  }
0xaa: {  	[dreg:$0x3] =	wrdreg s6  }
0xab: {  	[dreg:$0x4] =	wrdreg $0xC0  }
0xac: {  	_ =	task [dreg:s8], $0x5FFFF  }
0xad: {  	[dreg:$0x1] =	wrdreg $0xFFFFFFFF  }
0xae: {  	[dreg:$0x0] =	wrdreg $0x60  }
0xaf: {  	[dreg:$0x2] =	wrdreg s2  }
0xb0: {  	[dreg:$0x3] =	wrdreg s18  }
0xb1: {  	[dreg:$0x4] =	wrdreg s24  }
0xb2: {  	[dreg:$0x5] =	wrdreg $0x9  }
0xb3: {  	_ =	task.clear_ibuf [dreg:s8], $0x6FFFF;
	_ =	strace $0x90000046  }
0xb4: {  	s29 =	simm.s32 $0x9;
	_ =	strace $0x80000048  }
0xb5: {  	_ =	swait.ge [sflag:s29], $0x1  }
0xb6: {  	[sflag:s29] =	ssyncadd.s32 $0xFFFFFFFF  }
0xb7: {  	_ =	strace $0x90000048  }
0xb8: {  	_ =	sfence  }
0xb9: {  	s30 =	sld [smem:$0x0];
	_ =	sdelay $0x2  }
0xba: {  	s31 =	sshll.u32 s1, $0xD;
	s1 =	sshrl.u32 s1, $0x2  }
0xbb: {  	s3 =	sand.u32 $0x4000, s31;
	s1 =	sadd.s32 s1, s30  }
0xbc: {  	s0 =	sor.u32 s3, s0;
	s1 =	sshll.u32 s1, $0x11  }
0xbd: {  	s0 =	sor.u32 s1, s0  }
0xbe: {  	s0 =	sadd.s32 $0x8F2B, s0  }
0xbf: {  	[sflag:s0] =	ssyncadd.remote.s32 $0x1  }
0xc0: {  	_ =	sfence.sel $0xFFFF  }
0xc1: {  	[dreg:$0x0] =	wrdreg $0xFFFFFFFF;
	(pc) =	sbr.abs _section_cstart, $3  }
0xc2: {  	[dreg:$0x1] =	wrdreg $0xFFFFFFFF  }
0xc3: {  	_ =	task.clear_ibuf [dreg:s8], $0x2FFFF;
	_ =	strace $0x9FFFFFFF  }
0xc4: {  	(tm) =	ssettm $0x7FFFFFFF  }
0xc5: {  	_ =	shalt  }
tec
execute0_lowered:
.L_overlay_start_1:
0x0: {  	(tag) =	ssettag $0x1  }
0x1: {  	s5 =	rddreg [dreg:$0x0]  }
0x2: {  	s1 =	rddreg [dreg:$0x1]  }
0x3: {  	s6 =	rddreg [dreg:$0x2]  }
0x4: {  	s0 =	rddreg [dreg:$0x3];
	s3 =	simm.s32 $0x0;
	s4 =	srdreg.scid  }
0x5: {  	s2 =	stileid.u32;
	s12 =	simm.s32 $0x4000;
	s13 =	simm.s32 $0xC800  }
0x6: {  	s14 =	simm.s32 $0xC600;
	s15 =	simm.s32 $0xA600;
	s16 =	simm.s32 $0x0  }
0x7: {  	[smem:$0x7FF] =	sst s3;
	s7 =	sand.u32 $0x1, s4;
	s30 =	sshll.u32 s2, $0x1  }
0x8: {  	s4 =	sadd.s32 $0xC00, s6;
	_ =	strace $0x80000047;
	s8 =	sor.u32 s7, s30  }
0x9: {  	s7 =	ssub.s32 $0x2, s7;
	s9 =	sshll.u32 s8, $0x6;
	s10 =	sshll.u32 s8, $0xA  }
0xa: {  	s11 =	sshrl.u32 s7, $0x1;
	s31 =	sshll.u32 s8, $0x9;
	s9 =	sadd.s32 s9, s6  }
0xb: {  	s10 =	sadd.s32 s10, s6;
	s11 =	ssub.s32 s7, s11;
	s5 =	sadd.s32 s5, s31  }
0xc: {  	s6 =	sadd.s32 $0x1A00, s9;
	s7 =	sadd.s32 $0x2200, s10;
	s8 =	smax.u32 s11, $0x1  }
0xd: {  	s9 =	simm.s32 $0x1000;
	s10 =	simm.s32 $0x20000;
	s11 =	simm.s32 $0x1  }
.LBB2_1:
0xe: {  	[tilespmem:s3], [sflag:$0x1] =	stream.strided.gather [hbm4b:s5+s9], $0x4000, s10, s9, $0x38;
	[tilespmem:$0xC880] =	vst v63  }
0xf: {  	_ =	swait.ge [sflag:s11], $0x4000  }
0x10: {  	[sflag:s11] =	ssyncset.done $0x0  }
0x11: {  	[sflag:s11] =	ssyncadd.s32 $0xFFFFC000  }
0x12: {  	[tilespmem:s12], [sflag:$0x1] =	stream.linear.gather [hbm4b:s4+s3], $0x6600, $0x38;
	[tilespmem:$0xC880] =	vst v63  }
0x13: {  	_ =	swait.ge [sflag:s11], $0x6600  }
0x14: {  	[sflag:s11] =	ssyncset.done $0x0  }
0x15: {  	[sflag:s11] =	ssyncadd.s32 $0xFFFF9A00  }
0x16: {  	[tilespmem:s13], [sflag:$0x1] =	stream.linear.gather [hbm4b:s1+s3], $0x80, $0x38;
	[tilespmem:$0xC880] =	vst v63  }
0x17: {  	_ =	swait.ge [sflag:s11], $0x80  }
0x18: {  	s17 =	sand.u32 $0xC00, s3;
	s18 =	sand.u32 $0x70, s3;
	[sflag:s11] =	ssyncset.done $0x0  }
0x19: {  	s17 =	sor.u32 s18, s17;
	[sflag:s11] =	ssyncadd.s32 $0xFFFFFF80  }
0x1a: {  	v0 =	vld [tilespmem:s17+$0x0]  }
0x1b: {  	v1 =	vld [tilespmem:s17+$0x80];
	_ =	sdelay $0x1  }
0x1c: {  	v2 =	vld [tilespmem:s17+$0x100];
	_ =	sdelay $0x1  }
0x1d: {  	v3 =	vld [tilespmem:s17+$0x180]  }
0x1e: {  	v4 =	vld [tilespmem:s17+$0x200];
	v1 =	vadd.s32 $0x3E8, v1  }
0x1f: {  	v5 =	vld [tilespmem:s17+$0x280]  }
0x20: {  	v6 =	vld [tilespmem:$0xC800];
	v2 =	vadd.s32 $0x7D0, v2  }
0x21: {  	v0 =	vld.idx.msk [tilespmem:v0+s12+$0x0], $0xffff  }
0x22: {  	v7 =	vld [tilespmem:s17+$0x300];
	v3 =	vadd.s32 $0xBB8, v3  }
0x23: {  	v1 =	vld.idx.msk [tilespmem:v1+s12+$0x0], $0xffff  }
0x24: {  	v8 =	vld [tilespmem:s17+$0x380];
	v4 =	vadd.s32 $0xFA0, v4  }
0x25: {  	v2 =	vld.idx.msk [tilespmem:v2+s12+$0x0], $0xffff  }
0x26: {  	v9 =	vld [tilespmem:s17+$0x1000];
	v5 =	vadd.s32 $0x1388, v5;
	v0 =	vadd.f32 v0, v6  }
0x27: {  	v3 =	vld.idx.msk [tilespmem:v3+s12+$0x0], $0xffff  }
0x28: {  	v28 =	vld [tilespmem:s17+$0x1080];
	v27 =	vadd.s32 $0x1770, v7;
	v0 =	vadd.f32 v1, v0  }
0x29: {  	v1 =	vld.idx.msk [tilespmem:v4+s12+$0x0], $0xffff  }
0x2a: {  	v30 =	vld [tilespmem:s17+$0x1100];
	v29 =	vadd.s32 $0x1B58, v8;
	v0 =	vadd.f32 v2, v0  }
0x2b: {  	v2 =	vld.idx.msk [tilespmem:v5+s12+$0x0], $0xffff  }
0x2c: {  	v32 =	vld [tilespmem:s17+$0x1180];
	v31 =	vadd.s32 $0x1F40, v9;
	v0 =	vadd.f32 v3, v0  }
0x2d: {  	v3 =	vld.idx.msk [tilespmem:v27+s12+$0x0], $0xffff  }
0x2e: {  	v34 =	vld [tilespmem:s17+$0x1200];
	v33 =	vadd.s32 $0x2328, v28;
	v0 =	vadd.f32 v1, v0  }
0x2f: {  	v1 =	vld.idx.msk [tilespmem:v29+s12+$0x0], $0xffff  }
0x30: {  	v36 =	vld [tilespmem:s17+$0x1280];
	v35 =	vadd.s32 $0x2710, v30;
	v0 =	vadd.f32 v2, v0  }
0x31: {  	v2 =	vld.idx.msk [tilespmem:v31+s12+$0x0], $0xffff  }
0x32: {  	v38 =	vld [tilespmem:s17+$0x1300];
	v37 =	vadd.s32 $0x2AF8, v32;
	v0 =	vadd.f32 v3, v0  }
0x33: {  	v3 =	vld.idx.msk [tilespmem:v33+s12+$0x0], $0xffff  }
0x34: {  	v40 =	vld [tilespmem:s17+$0x1380];
	v39 =	vadd.s32 $0x2EE0, v34;
	v0 =	vadd.f32 v1, v0  }
0x35: {  	v1 =	vld.idx.msk [tilespmem:v35+s12+$0x0], $0xffff  }
0x36: {  	v42 =	vld [tilespmem:s17+$0x2000];
	v41 =	vadd.s32 $0x32C8, v36;
	v0 =	vadd.f32 v2, v0  }
0x37: {  	v2 =	vld.idx.msk [tilespmem:v37+s12+$0x0], $0xffff  }
0x38: {  	v44 =	vld [tilespmem:s17+$0x2080];
	v43 =	vadd.s32 $0x36B0, v38;
	v0 =	vadd.f32 v3, v0  }
0x39: {  	v3 =	vld.idx.msk [tilespmem:v39+s12+$0x0], $0xffff  }
0x3a: {  	v46 =	vld [tilespmem:s17+$0x2100];
	v45 =	vadd.s32 $0x3A98, v40;
	v0 =	vadd.f32 v1, v0  }
0x3b: {  	v1 =	vld.idx.msk [tilespmem:v41+s12+$0x0], $0xffff  }
0x3c: {  	v48 =	vld [tilespmem:s17+$0x2180];
	v47 =	vadd.s32 $0x3E80, v42;
	v0 =	vadd.f32 v2, v0  }
0x3d: {  	v2 =	vld.idx.msk [tilespmem:v43+s12+$0x0], $0xffff  }
0x3e: {  	v50 =	vld [tilespmem:s17+$0x2200];
	v49 =	vadd.s32 $0x4268, v44;
	v0 =	vadd.f32 v3, v0  }
0x3f: {  	v3 =	vld.idx.msk [tilespmem:v45+s12+$0x0], $0xffff  }
0x40: {  	v52 =	vld [tilespmem:s17+$0x2280];
	v51 =	vadd.s32 $0x4650, v46;
	v0 =	vadd.f32 v1, v0  }
0x41: {  	v1 =	vld.idx.msk [tilespmem:v47+s12+$0x0], $0xffff  }
0x42: {  	v54 =	vld [tilespmem:s17+$0x2300];
	v53 =	vadd.s32 $0x4A38, v48;
	v0 =	vadd.f32 v2, v0  }
0x43: {  	v2 =	vld.idx.msk [tilespmem:v49+s12+$0x0], $0xffff  }
0x44: {  	v56 =	vld [tilespmem:s17+$0x2380];
	v55 =	vadd.s32 $0x4E20, v50;
	v0 =	vadd.f32 v3, v0  }
0x45: {  	v3 =	vld.idx.msk [tilespmem:v51+s12+$0x0], $0xffff  }
0x46: {  	v58 =	vld [tilespmem:s17+$0x3000];
	v57 =	vadd.s32 $0x5208, v52;
	v0 =	vadd.f32 v1, v0  }
0x47: {  	v1 =	vld.idx.msk [tilespmem:v53+s12+$0x0], $0xffff  }
0x48: {  	v60 =	vld [tilespmem:s17+$0x3080];
	v59 =	vadd.s32 $0x55F0, v54;
	v0 =	vadd.f32 v2, v0  }
0x49: {  	v2 =	vld.idx.msk [tilespmem:v55+s12+$0x0], $0xffff  }
0x4a: {  	v61 =	vadd.s32 $0x59D8, v56;
	v0 =	vadd.f32 v3, v0  }
0x4b: {  	v3 =	vld.idx.msk [tilespmem:v57+s12+$0x0], $0xffff  }
0x4c: {  	v62 =	vadd.s32 $0x5DC0, v58;
	v0 =	vadd.f32 v1, v0  }
0x4d: {  	v1 =	vld.idx.msk [tilespmem:v59+s12+$0x0], $0xffff  }
0x4e: {  	v63 =	vadd.s32 $0x61A8, v60;
	v0 =	vadd.f32 v2, v0  }
0x4f: {  	v2 =	vld.idx.msk [tilespmem:v61+s12+$0x0], $0xffff  }
0x50: {  	v0 =	vadd.f32 v3, v0  }
0x51: {  	v3 =	vld.idx.msk [tilespmem:v62+s12+$0x0], $0xffff  }
0x52: {  	v0 =	vadd.f32 v1, v0  }
0x53: {  	v1 =	vld.idx.msk [tilespmem:v63+s12+$0x0], $0xffff  }
0x54: {  	v0 =	vadd.f32 v2, v0;
	_ =	sdelay $0x1  }
0x55: {  	v0 =	vadd.f32 v3, v0;
	_ =	sdelay $0x1  }
0x56: {  	v0 =	vadd.f32 v1, v0;
	_ =	sdelay $0x1  }
0x57: {  	[tilespmem:s14+$0x0] =	vst v0  }
0x58: {  	v0 =	vld [tilespmem:s17+$0x0];
	_ =	sdelay $0x1  }
0x59: {  	v1 =	vld [tilespmem:s17+$0x80];
	_ =	sdelay $0x2  }
0x5a: {  	v0 =	vmul.u32 $0x3E8, v0;
	_ =	sdelay $0x1  }
0x5b: {  	s19 =	simm.s32 $0xA680;
	v0 =	vadd.s32 v1, v0  }
0x5c: {  	[tilespmem:s19+$0xFFFFFF80] =	vst v0  }
0x5d: {  	v0 =	vld [tilespmem:s17+$0x100];
	_ =	sdelay $0x1  }
0x5e: {  	v1 =	vld [tilespmem:s17+$0x180];
	_ =	sdelay $0x2  }
0x5f: {  	v0 =	vmul.u32 $0x3E8, v0;
	_ =	sdelay $0x1  }
0x60: {  	v0 =	vadd.s32 v0, v1  }
0x61: {  	v0 =	vadd.s32 $0xF4240, v0  }
0x62: {  	[tilespmem:s19+$0xFFFFFF90] =	vst v0  }
0x63: {  	v0 =	vld [tilespmem:s17+$0x200];
	_ =	sdelay $0x1  }
0x64: {  	v1 =	vld [tilespmem:s17+$0x280];
	_ =	sdelay $0x2  }
0x65: {  	v0 =	vmul.u32 $0x3E8, v0;
	_ =	sdelay $0x1  }
0x66: {  	v0 =	vadd.s32 v0, v1  }
0x67: {  	v0 =	vadd.s32 $0x1E8480, v0  }
0x68: {  	[tilespmem:s19+$0xFFFFFFA0] =	vst v0  }
0x69: {  	v0 =	vld [tilespmem:s17+$0x300];
	_ =	sdelay $0x1  }
0x6a: {  	v1 =	vld [tilespmem:s17+$0x380];
	_ =	sdelay $0x2  }
0x6b: {  	v0 =	vmul.u32 $0x3E8, v0;
	_ =	sdelay $0x1  }
0x6c: {  	v0 =	vadd.s32 v0, v1  }
0x6d: {  	v0 =	vadd.s32 $0x2DC6C0, v0  }
0x6e: {  	[tilespmem:s19+$0xFFFFFFB0] =	vst v0  }
0x6f: {  	v0 =	vld [tilespmem:s17+$0x1000];
	_ =	sdelay $0x1  }
0x70: {  	v1 =	vld [tilespmem:s17+$0x1080];
	_ =	sdelay $0x2  }
0x71: {  	v0 =	vmul.u32 $0x3E8, v0;
	_ =	sdelay $0x1  }
0x72: {  	v0 =	vadd.s32 v0, v1  }
0x73: {  	v0 =	vadd.s32 $0x3D0900, v0  }
0x74: {  	[tilespmem:s19+$0xFFFFFFC0] =	vst v0  }
0x75: {  	v0 =	vld [tilespmem:s17+$0x1100];
	_ =	sdelay $0x1  }
0x76: {  	v1 =	vld [tilespmem:s17+$0x1180];
	_ =	sdelay $0x2  }
0x77: {  	v0 =	vmul.u32 $0x3E8, v0;
	_ =	sdelay $0x1  }
0x78: {  	v0 =	vadd.s32 v0, v1  }
0x79: {  	v0 =	vadd.s32 $0x4C4B40, v0  }
0x7a: {  	[tilespmem:s19+$0xFFFFFFD0] =	vst v0  }
0x7b: {  	v0 =	vld [tilespmem:s17+$0x1200];
	_ =	sdelay $0x1  }
0x7c: {  	v1 =	vld [tilespmem:s17+$0x1280];
	_ =	sdelay $0x2  }
0x7d: {  	v0 =	vmul.u32 $0x3E8, v0;
	_ =	sdelay $0x1  }
0x7e: {  	v0 =	vadd.s32 v0, v1  }
0x7f: {  	v0 =	vadd.s32 $0x5B8D80, v0  }
0x80: {  	[tilespmem:s19+$0xFFFFFFE0] =	vst v0  }
0x81: {  	v0 =	vld [tilespmem:s17+$0x1300];
	_ =	sdelay $0x1  }
0x82: {  	v1 =	vld [tilespmem:s17+$0x1380];
	_ =	sdelay $0x2  }
0x83: {  	v0 =	vmul.u32 $0x3E8, v0;
	_ =	sdelay $0x1  }
0x84: {  	v0 =	vadd.s32 v0, v1  }
0x85: {  	v0 =	vadd.s32 $0x6ACFC0, v0  }
0x86: {  	[tilespmem:s19+$0xFFFFFFF0] =	vst v0  }
0x87: {  	v0 =	vld [tilespmem:s17+$0x2000];
	_ =	sdelay $0x1  }
0x88: {  	v1 =	vld [tilespmem:s17+$0x2080];
	_ =	sdelay $0x2  }
0x89: {  	v0 =	vmul.u32 $0x3E8, v0;
	_ =	sdelay $0x1  }
0x8a: {  	v0 =	vadd.s32 v0, v1  }
0x8b: {  	v0 =	vadd.s32 $0x7A1200, v0  }
0x8c: {  	[tilespmem:s19+$0x0] =	vst v0  }
0x8d: {  	v0 =	vld [tilespmem:s17+$0x2100];
	_ =	sdelay $0x1  }
0x8e: {  	v1 =	vld [tilespmem:s17+$0x2180];
	_ =	sdelay $0x2  }
0x8f: {  	v0 =	vmul.u32 $0x3E8, v0;
	_ =	sdelay $0x1  }
0x90: {  	v0 =	vadd.s32 v0, v1  }
0x91: {  	v0 =	vadd.s32 $0x895440, v0  }
0x92: {  	[tilespmem:s19+$0x10] =	vst v0  }
0x93: {  	v0 =	vld [tilespmem:s17+$0x2200];
	_ =	sdelay $0x1  }
0x94: {  	v1 =	vld [tilespmem:s17+$0x2280];
	_ =	sdelay $0x2  }
0x95: {  	v0 =	vmul.u32 $0x3E8, v0;
	_ =	sdelay $0x1  }
0x96: {  	v0 =	vadd.s32 v0, v1  }
0x97: {  	v0 =	vadd.s32 $0x989680, v0  }
0x98: {  	[tilespmem:s19+$0x20] =	vst v0  }
0x99: {  	v0 =	vld [tilespmem:s17+$0x2300];
	_ =	sdelay $0x1  }
0x9a: {  	v1 =	vld [tilespmem:s17+$0x2380];
	_ =	sdelay $0x2  }
0x9b: {  	v0 =	vmul.u32 $0x3E8, v0;
	_ =	sdelay $0x1  }
0x9c: {  	v0 =	vadd.s32 v0, v1  }
0x9d: {  	v0 =	vadd.s32 $0xA7D8C0, v0  }
0x9e: {  	[tilespmem:s19+$0x30] =	vst v0  }
0x9f: {  	v0 =	vld [tilespmem:s17+$0x3000];
	_ =	sdelay $0x1  }
0xa0: {  	v1 =	vld [tilespmem:s17+$0x3080];
	_ =	sdelay $0x2  }
0xa1: {  	v0 =	vmul.u32 $0x3E8, v0;
	_ =	sdelay $0x1  }
0xa2: {  	v0 =	vadd.s32 v0, v1  }
0xa3: {  	v0 =	vadd.s32 $0xB71B00, v0  }
0xa4: {  	[tilespmem:s19+$0x40] =	vst v0  }
0xa5: {  	v0 =	vld [tilespmem:s17+$0x0];
	_ =	sdelay $0x1  }
0xa6: {  	v1 =	vld [tilespmem:s17+$0x100];
	_ =	sdelay $0x2  }
0xa7: {  	v0 =	vmul.u32 $0x3E8, v0;
	_ =	sdelay $0x1  }
0xa8: {  	v0 =	vadd.s32 v0, v1  }
0xa9: {  	v0 =	vadd.s32 $0xC65D40, v0  }
0xaa: {  	[tilespmem:s19+$0x50] =	vst v0  }
0xab: {  	v0 =	vld [tilespmem:s17+$0x80];
	_ =	sdelay $0x1  }
0xac: {  	v1 =	vld [tilespmem:s17+$0x180];
	_ =	sdelay $0x2  }
0xad: {  	v0 =	vmul.u32 $0x3E8, v0;
	_ =	sdelay $0x1  }
0xae: {  	v0 =	vadd.s32 v0, v1  }
0xaf: {  	v0 =	vadd.s32 $0xD59F80, v0  }
0xb0: {  	[tilespmem:s19+$0x60] =	vst v0  }
0xb1: {  	v0 =	vld [tilespmem:s17+$0x200];
	_ =	sdelay $0x1  }
0xb2: {  	v1 =	vld [tilespmem:s17+$0x300];
	_ =	sdelay $0x2  }
0xb3: {  	s31 =	simm.s32 $0x80;
	v0 =	vmul.u32 $0x3E8, v0  }
0xb4: {  	s21 =	simm.s32 $0x10;
	s24 =	simm.s32 $0x20;
	s22 =	simm.s32 $0x100  }
0xb5: {  	s20 =	sand.u32 $0xC00, s31;
	s18 =	simm.s32 $0xC610;
	s17 =	simm.s32 $0xA780;
	v0 =	vadd.s32 v0, v1  }
.LBB2_2:
0xb6: {  	s25 =	sand.u32 $0xC00, s22  }
0xb7: {  	s26 =	sand.u32 $0x70, s21;
	v0 =	vadd.s32 $0xE4E1C0, v0;
	s21 =	smov.u32 s24;
	s23 =	sadd.s32 $0x10, s24  }
0xb8: {  	p0 =	sne.s32 s24, $0x1F0;
	s24 =	sor.u32 s26, s20;
	[tilespmem:s19+$0x70] =	vst v0;
	s20 =	smov.u32 s25  }
0xb9: {  	s19 =	smov.u32 s17;
	v0 =	vld [tilespmem:s24+$0x0]  }
0xba: {  	v1 =	vld [tilespmem:s24+$0x80]  }
0xbb: {  	v2 =	vld [tilespmem:s24+$0x100];
	_ =	sdelay $0x1  }
0xbc: {  	v3 =	vld [tilespmem:s24+$0x180]  }
0xbd: {  	v4 =	vld [tilespmem:s24+$0x380]  }
0xbe: {  	v1 =	vadd.s32 $0x3E8, v1;
	v5 =	vld [tilespmem:s24+$0x200]  }
0xbf: {  	v2 =	vadd.s32 $0x7D0, v2;
	v6 =	vld [tilespmem:s24+$0x280]  }
0xc0: {  	v0 =	vld.idx.msk [tilespmem:v0+s12+$0x0], $0xffff  }
0xc1: {  	v7 =	vld [tilespmem:$0xC800];
	v3 =	vadd.s32 $0xBB8, v3  }
0xc2: {  	v8 =	vld [tilespmem:s24+$0x300];
	v4 =	vadd.s32 $0x1B58, v4  }
0xc3: {  	v1 =	vld.idx.msk [tilespmem:v1+s12+$0x0], $0xffff;
	v5 =	vadd.s32 $0xFA0, v5  }
0xc4: {  	v2 =	vld.idx.msk [tilespmem:v2+s12+$0x0], $0xffff;
	v6 =	vadd.s32 $0x1388, v6  }
0xc5: {  	v9 =	vld [tilespmem:s24+$0x1000]  }
0xc6: {  	v0 =	vadd.f32 v0, v7;
	v3 =	vld.idx.msk [tilespmem:v3+s12+$0x0], $0xffff  }
0xc7: {  	v7 =	vadd.s32 $0x1770, v8;
	v8 =	vld [tilespmem:s24+$0x1080]  }
0xc8: {  	v5 =	vld.idx.msk [tilespmem:v5+s12+$0x0], $0xffff  }
0xc9: {  	v0 =	vadd.f32 v1, v0;
	v1 =	vld [tilespmem:s24+$0x1100]  }
0xca: {  	v6 =	vld.idx.msk [tilespmem:v6+s12+$0x0], $0xffff;
	v9 =	vadd.s32 $0x1F40, v9  }
0xcb: {  	v0 =	vadd.f32 v2, v0;
	v2 =	vld [tilespmem:s24+$0x1180]  }
0xcc: {  	v7 =	vld.idx.msk [tilespmem:v7+s12+$0x0], $0xffff;
	v8 =	vadd.s32 $0x2328, v8  }
0xcd: {  	v0 =	vadd.f32 v3, v0;
	v3 =	vld [tilespmem:s24+$0x1200]  }
0xce: {  	v4 =	vld.idx.msk [tilespmem:v4+s12+$0x0], $0xffff;
	v1 =	vadd.s32 $0x2710, v1  }
0xcf: {  	v0 =	vadd.f32 v5, v0;
	v5 =	vld [tilespmem:s24+$0x1280]  }
0xd0: {  	v9 =	vld.idx.msk [tilespmem:v9+s12+$0x0], $0xffff;
	v2 =	vadd.s32 $0x2AF8, v2  }
0xd1: {  	v0 =	vadd.f32 v6, v0;
	v6 =	vld [tilespmem:s24+$0x1300]  }
0xd2: {  	v8 =	vld.idx.msk [tilespmem:v8+s12+$0x0], $0xffff;
	v3 =	vadd.s32 $0x2EE0, v3  }
0xd3: {  	v0 =	vadd.f32 v7, v0;
	v7 =	vld [tilespmem:s24+$0x1380]  }
0xd4: {  	v1 =	vld.idx.msk [tilespmem:v1+s12+$0x0], $0xffff;
	v5 =	vadd.s32 $0x32C8, v5  }
0xd5: {  	v0 =	vadd.f32 v4, v0;
	v4 =	vld [tilespmem:s24+$0x2000]  }
0xd6: {  	v2 =	vld.idx.msk [tilespmem:v2+s12+$0x0], $0xffff;
	v6 =	vadd.s32 $0x36B0, v6  }
0xd7: {  	v0 =	vadd.f32 v9, v0;
	v9 =	vld [tilespmem:s24+$0x2080]  }
0xd8: {  	v3 =	vld.idx.msk [tilespmem:v3+s12+$0x0], $0xffff;
	v7 =	vadd.s32 $0x3A98, v7  }
0xd9: {  	v0 =	vadd.f32 v8, v0;
	v8 =	vld [tilespmem:s24+$0x2100]  }
0xda: {  	v5 =	vld.idx.msk [tilespmem:v5+s12+$0x0], $0xffff;
	v4 =	vadd.s32 $0x3E80, v4  }
0xdb: {  	v0 =	vadd.f32 v1, v0;
	v1 =	vld [tilespmem:s24+$0x2180]  }
0xdc: {  	v6 =	vld.idx.msk [tilespmem:v6+s12+$0x0], $0xffff;
	v9 =	vadd.s32 $0x4268, v9  }
0xdd: {  	v0 =	vadd.f32 v2, v0;
	v2 =	vld [tilespmem:s24+$0x2200]  }
0xde: {  	v7 =	vld.idx.msk [tilespmem:v7+s12+$0x0], $0xffff;
	v8 =	vadd.s32 $0x4650, v8  }
0xdf: {  	v0 =	vadd.f32 v3, v0;
	v3 =	vld [tilespmem:s24+$0x2280]  }
0xe0: {  	v4 =	vld.idx.msk [tilespmem:v4+s12+$0x0], $0xffff;
	v1 =	vadd.s32 $0x4A38, v1  }
0xe1: {  	v0 =	vadd.f32 v5, v0;
	v5 =	vld [tilespmem:s24+$0x2300]  }
0xe2: {  	v9 =	vld.idx.msk [tilespmem:v9+s12+$0x0], $0xffff;
	v2 =	vadd.s32 $0x4E20, v2  }
0xe3: {  	v0 =	vadd.f32 v6, v0;
	v6 =	vld [tilespmem:s24+$0x2380]  }
0xe4: {  	v8 =	vld.idx.msk [tilespmem:v8+s12+$0x0], $0xffff;
	v3 =	vadd.s32 $0x5208, v3  }
0xe5: {  	v0 =	vadd.f32 v7, v0;
	v7 =	vld [tilespmem:s24+$0x3000]  }
0xe6: {  	v1 =	vld.idx.msk [tilespmem:v1+s12+$0x0], $0xffff;
	v5 =	vadd.s32 $0x55F0, v5  }
0xe7: {  	v0 =	vadd.f32 v4, v0;
	v4 =	vld [tilespmem:s24+$0x3080]  }
0xe8: {  	v2 =	vld.idx.msk [tilespmem:v2+s12+$0x0], $0xffff;
	v6 =	vadd.s32 $0x59D8, v6  }
0xe9: {  	v0 =	vadd.f32 v9, v0  }
0xea: {  	v3 =	vld.idx.msk [tilespmem:v3+s12+$0x0], $0xffff;
	v7 =	vadd.s32 $0x5DC0, v7  }
0xeb: {  	v0 =	vadd.f32 v8, v0  }
0xec: {  	v5 =	vld.idx.msk [tilespmem:v5+s12+$0x0], $0xffff;
	v4 =	vadd.s32 $0x61A8, v4  }
0xed: {  	v0 =	vadd.f32 v1, v0  }
0xee: {  	v1 =	vld.idx.msk [tilespmem:v6+s12+$0x0], $0xffff  }
0xef: {  	v0 =	vadd.f32 v2, v0  }
0xf0: {  	v2 =	vld.idx.msk [tilespmem:v7+s12+$0x0], $0xffff  }
0xf1: {  	v0 =	vadd.f32 v3, v0  }
0xf2: {  	v3 =	vld.idx.msk [tilespmem:v4+s12+$0x0], $0xffff  }
0xf3: {  	v0 =	vadd.f32 v5, v0;
	_ =	sdelay $0x1  }
0xf4: {  	v0 =	vadd.f32 v1, v0;
	_ =	sdelay $0x1  }
0xf5: {  	v0 =	vadd.f32 v2, v0;
	_ =	sdelay $0x1  }
0xf6: {  	v0 =	vadd.f32 v3, v0;
	_ =	sdelay $0x1  }
0xf7: {  	[tilespmem:s18+$0x0] =	vst v0  }
0xf8: {  	v0 =	vld [tilespmem:s24+$0x0]  }
0xf9: {  	v1 =	vld [tilespmem:s24+$0x80];
	_ =	sdelay $0x3  }
0xfa: {  	v0 =	vmul.u32 $0x3E8, v0;
	_ =	sdelay $0x1  }
0xfb: {  	v0 =	vadd.s32 v1, v0  }
0xfc: {  	[tilespmem:s17+$0xFFFFFF80] =	vst v0  }
0xfd: {  	v0 =	vld [tilespmem:s24+$0x100]  }
0xfe: {  	v1 =	vld [tilespmem:s24+$0x180];
	_ =	sdelay $0x3  }
0xff: {  	v0 =	vmul.u32 $0x3E8, v0;
	_ =	sdelay $0x1  }
0x100: {  	v0 =	vadd.s32 v0, v1  }
0x101: {  	v0 =	vadd.s32 $0xF4240, v0  }
0x102: {  	[tilespmem:s17+$0xFFFFFF90] =	vst v0  }
0x103: {  	v0 =	vld [tilespmem:s24+$0x200]  }
0x104: {  	v1 =	vld [tilespmem:s24+$0x280];
	_ =	sdelay $0x3  }
0x105: {  	v0 =	vmul.u32 $0x3E8, v0;
	_ =	sdelay $0x1  }
0x106: {  	v0 =	vadd.s32 v0, v1  }
0x107: {  	v0 =	vadd.s32 $0x1E8480, v0  }
0x108: {  	[tilespmem:s17+$0xFFFFFFA0] =	vst v0  }
0x109: {  	v0 =	vld [tilespmem:s24+$0x300]  }
0x10a: {  	v1 =	vld [tilespmem:s24+$0x380];
	_ =	sdelay $0x3  }
0x10b: {  	v0 =	vmul.u32 $0x3E8, v0;
	_ =	sdelay $0x1  }
0x10c: {  	v0 =	vadd.s32 v0, v1  }
0x10d: {  	v0 =	vadd.s32 $0x2DC6C0, v0  }
0x10e: {  	[tilespmem:s17+$0xFFFFFFB0] =	vst v0  }
0x10f: {  	v0 =	vld [tilespmem:s24+$0x1000]  }
0x110: {  	v1 =	vld [tilespmem:s24+$0x1080];
	_ =	sdelay $0x3  }
0x111: {  	v0 =	vmul.u32 $0x3E8, v0;
	_ =	sdelay $0x1  }
0x112: {  	v0 =	vadd.s32 v0, v1  }
0x113: {  	v0 =	vadd.s32 $0x3D0900, v0  }
0x114: {  	[tilespmem:s17+$0xFFFFFFC0] =	vst v0  }
0x115: {  	v0 =	vld [tilespmem:s24+$0x1100]  }
0x116: {  	v1 =	vld [tilespmem:s24+$0x1180];
	_ =	sdelay $0x3  }
0x117: {  	v0 =	vmul.u32 $0x3E8, v0;
	_ =	sdelay $0x1  }
0x118: {  	v0 =	vadd.s32 v0, v1  }
0x119: {  	v0 =	vadd.s32 $0x4C4B40, v0  }
0x11a: {  	[tilespmem:s17+$0xFFFFFFD0] =	vst v0  }
0x11b: {  	v0 =	vld [tilespmem:s24+$0x1200]  }
0x11c: {  	v1 =	vld [tilespmem:s24+$0x1280];
	_ =	sdelay $0x3  }
0x11d: {  	v0 =	vmul.u32 $0x3E8, v0;
	_ =	sdelay $0x1  }
0x11e: {  	v0 =	vadd.s32 v0, v1  }
0x11f: {  	v0 =	vadd.s32 $0x5B8D80, v0  }
0x120: {  	[tilespmem:s17+$0xFFFFFFE0] =	vst v0  }
0x121: {  	v0 =	vld [tilespmem:s24+$0x1300]  }
0x122: {  	v1 =	vld [tilespmem:s24+$0x1380];
	_ =	sdelay $0x3  }
0x123: {  	v0 =	vmul.u32 $0x3E8, v0;
	_ =	sdelay $0x1  }
0x124: {  	v0 =	vadd.s32 v0, v1  }
0x125: {  	v0 =	vadd.s32 $0x6ACFC0, v0  }
0x126: {  	[tilespmem:s17+$0xFFFFFFF0] =	vst v0  }
0x127: {  	v0 =	vld [tilespmem:s24+$0x2000]  }
0x128: {  	v1 =	vld [tilespmem:s24+$0x2080];
	_ =	sdelay $0x3  }
0x129: {  	v0 =	vmul.u32 $0x3E8, v0;
	_ =	sdelay $0x1  }
0x12a: {  	v0 =	vadd.s32 v0, v1  }
0x12b: {  	v0 =	vadd.s32 $0x7A1200, v0  }
0x12c: {  	[tilespmem:s17+$0x0] =	vst v0  }
0x12d: {  	v0 =	vld [tilespmem:s24+$0x2100]  }
0x12e: {  	v1 =	vld [tilespmem:s24+$0x2180];
	_ =	sdelay $0x3  }
0x12f: {  	v0 =	vmul.u32 $0x3E8, v0;
	_ =	sdelay $0x1  }
0x130: {  	v0 =	vadd.s32 v0, v1  }
0x131: {  	v0 =	vadd.s32 $0x895440, v0  }
0x132: {  	[tilespmem:s17+$0x10] =	vst v0  }
0x133: {  	v0 =	vld [tilespmem:s24+$0x2200]  }
0x134: {  	v1 =	vld [tilespmem:s24+$0x2280];
	_ =	sdelay $0x3  }
0x135: {  	v0 =	vmul.u32 $0x3E8, v0;
	_ =	sdelay $0x1  }
0x136: {  	v0 =	vadd.s32 v0, v1  }
0x137: {  	v0 =	vadd.s32 $0x989680, v0  }
0x138: {  	[tilespmem:s17+$0x20] =	vst v0  }
0x139: {  	v0 =	vld [tilespmem:s24+$0x2300]  }
0x13a: {  	v1 =	vld [tilespmem:s24+$0x2380];
	_ =	sdelay $0x3  }
0x13b: {  	v0 =	vmul.u32 $0x3E8, v0;
	_ =	sdelay $0x1  }
0x13c: {  	v0 =	vadd.s32 v0, v1  }
0x13d: {  	v0 =	vadd.s32 $0xA7D8C0, v0  }
0x13e: {  	[tilespmem:s17+$0x30] =	vst v0  }
0x13f: {  	v0 =	vld [tilespmem:s24+$0x3000]  }
0x140: {  	v1 =	vld [tilespmem:s24+$0x3080];
	_ =	sdelay $0x3  }
0x141: {  	v0 =	vmul.u32 $0x3E8, v0;
	_ =	sdelay $0x1  }
0x142: {  	v0 =	vadd.s32 v0, v1  }
0x143: {  	v0 =	vadd.s32 $0xB71B00, v0  }
0x144: {  	[tilespmem:s17+$0x40] =	vst v0  }
0x145: {  	v0 =	vld [tilespmem:s24+$0x0]  }
0x146: {  	v1 =	vld [tilespmem:s24+$0x100];
	_ =	sdelay $0x3  }
0x147: {  	v0 =	vmul.u32 $0x3E8, v0;
	_ =	sdelay $0x1  }
0x148: {  	v0 =	vadd.s32 v0, v1  }
0x149: {  	v0 =	vadd.s32 $0xC65D40, v0  }
0x14a: {  	[tilespmem:s17+$0x50] =	vst v0  }
0x14b: {  	v0 =	vld [tilespmem:s24+$0x80]  }
0x14c: {  	v1 =	vld [tilespmem:s24+$0x180];
	_ =	sdelay $0x3  }
0x14d: {  	v0 =	vmul.u32 $0x3E8, v0;
	_ =	sdelay $0x1  }
0x14e: {  	v0 =	vadd.s32 v0, v1  }
0x14f: {  	v0 =	vadd.s32 $0xD59F80, v0  }
0x150: {  	[tilespmem:s17+$0x60] =	vst v0  }
0x151: {  	v0 =	vld [tilespmem:s24+$0x200]  }
0x152: {  	v1 =	vld [tilespmem:s24+$0x300];
	_ =	sdelay $0x1  }
.Ltmp0:
0x153: {  	(pc) =	sbr.rel @p0 .LBB2_2-.Ltmp0, $4  }
0x154: {  	_ = 	snop  }
0x155: {  	v0 =	vmul.u32 $0x3E8, v0  }
0x156: {  	s22 =	sadd.s32 $0x80, s22  }
0x157: {  	s18 =	sadd.s32 $0x10, s18;
	s17 =	sadd.s32 $0x100, s17;
	s24 =	smov.u32 s23;
	v0 =	vadd.s32 v0, v1  }
0x158: {  	s21 =	sand.u32 $0x70, s21;
	v0 =	vadd.s32 $0xE4E1C0, v0  }
0x159: {  	s20 =	sor.u32 s21, s20;
	[tilespmem:s19+$0x70] =	vst v0  }
0x15a: {  	v0 =	vld [tilespmem:s20+$0x0]  }
0x15b: {  	v1 =	vld [tilespmem:s20+$0x80];
	_ =	sdelay $0x1  }
0x15c: {  	v2 =	vld [tilespmem:s20+$0x100];
	_ =	sdelay $0x1  }
0x15d: {  	v3 =	vld [tilespmem:s20+$0x180]  }
0x15e: {  	v4 =	vld [tilespmem:s20+$0x200];
	v1 =	vadd.s32 $0x3E8, v1  }
0x15f: {  	v5 =	vld [tilespmem:s20+$0x280]  }
0x160: {  	v6 =	vld [tilespmem:$0xC800];
	v2 =	vadd.s32 $0x7D0, v2  }
0x161: {  	v0 =	vld.idx.msk [tilespmem:v0+s12+$0x0], $0xffff  }
0x162: {  	v7 =	vld [tilespmem:s20+$0x300];
	v3 =	vadd.s32 $0xBB8, v3  }
0x163: {  	v1 =	vld.idx.msk [tilespmem:v1+s12+$0x0], $0xffff  }
0x164: {  	v8 =	vld [tilespmem:s20+$0x380];
	v4 =	vadd.s32 $0xFA0, v4  }
0x165: {  	v2 =	vld.idx.msk [tilespmem:v2+s12+$0x0], $0xffff  }
0x166: {  	v9 =	vld [tilespmem:s20+$0x1000];
	v5 =	vadd.s32 $0x1388, v5;
	v0 =	vadd.f32 v0, v6  }
0x167: {  	v3 =	vld.idx.msk [tilespmem:v3+s12+$0x0], $0xffff  }
0x168: {  	v42 =	vld [tilespmem:s20+$0x1080];
	v41 =	vadd.s32 $0x1770, v7;
	v0 =	vadd.f32 v1, v0  }
0x169: {  	v43 =	vld.idx.msk [tilespmem:v4+s12+$0x0], $0xffff  }
0x16a: {  	v45 =	vld [tilespmem:s20+$0x1100];
	v44 =	vadd.s32 $0x1B58, v8;
	v0 =	vadd.f32 v2, v0  }
0x16b: {  	v46 =	vld.idx.msk [tilespmem:v5+s12+$0x0], $0xffff  }
0x16c: {  	v48 =	vld [tilespmem:s20+$0x1180];
	v47 =	vadd.s32 $0x1F40, v9;
	v0 =	vadd.f32 v3, v0  }
0x16d: {  	v49 =	vld.idx.msk [tilespmem:v41+s12+$0x0], $0xffff  }
0x16e: {  	v51 =	vld [tilespmem:s20+$0x1200];
	v50 =	vadd.s32 $0x2328, v42;
	v0 =	vadd.f32 v43, v0  }
0x16f: {  	v52 =	vld.idx.msk [tilespmem:v44+s12+$0x0], $0xffff  }
0x170: {  	v54 =	vld [tilespmem:s20+$0x1280];
	v53 =	vadd.s32 $0x2710, v45;
	v0 =	vadd.f32 v46, v0  }
0x171: {  	v55 =	vld.idx.msk [tilespmem:v47+s12+$0x0], $0xffff  }
0x172: {  	v57 =	vld [tilespmem:s20+$0x1300];
	v56 =	vadd.s32 $0x2AF8, v48;
	v0 =	vadd.f32 v49, v0  }
0x173: {  	v58 =	vld.idx.msk [tilespmem:v50+s12+$0x0], $0xffff  }
0x174: {  	v60 =	vld [tilespmem:s20+$0x1380];
	v59 =	vadd.s32 $0x2EE0, v51;
	v0 =	vadd.f32 v52, v0  }
0x175: {  	v61 =	vld.idx.msk [tilespmem:v53+s12+$0x0], $0xffff  }
0x176: {  	v63 =	vld [tilespmem:s20+$0x2000];
	v62 =	vadd.s32 $0x32C8, v54;
	v0 =	vadd.f32 v55, v0  }
0x177: {  	v12 =	vld.idx.msk [tilespmem:v56+s12+$0x0], $0xffff  }
0x178: {  	v14 =	vld [tilespmem:s20+$0x2080];
	v13 =	vadd.s32 $0x36B0, v57;
	v0 =	vadd.f32 v58, v0  }
0x179: {  	v15 =	vld.idx.msk [tilespmem:v59+s12+$0x0], $0xffff  }
0x17a: {  	v17 =	vld [tilespmem:s20+$0x2100];
	v16 =	vadd.s32 $0x3A98, v60;
	v0 =	vadd.f32 v61, v0  }
0x17b: {  	v18 =	vld.idx.msk [tilespmem:v62+s12+$0x0], $0xffff  }
0x17c: {  	v20 =	vld [tilespmem:s20+$0x2180];
	v19 =	vadd.s32 $0x3E80, v63;
	v0 =	vadd.f32 v12, v0  }
0x17d: {  	v21 =	vld.idx.msk [tilespmem:v13+s12+$0x0], $0xffff  }
0x17e: {  	v23 =	vld [tilespmem:s20+$0x2200];
	v22 =	vadd.s32 $0x4268, v14;
	v0 =	vadd.f32 v15, v0  }
0x17f: {  	v24 =	vld.idx.msk [tilespmem:v16+s12+$0x0], $0xffff  }
0x180: {  	v26 =	vld [tilespmem:s20+$0x2280];
	v25 =	vadd.s32 $0x4650, v17;
	v0 =	vadd.f32 v18, v0  }
0x181: {  	v27 =	vld.idx.msk [tilespmem:v19+s12+$0x0], $0xffff  }
0x182: {  	v29 =	vld [tilespmem:s20+$0x2300];
	v28 =	vadd.s32 $0x4A38, v20;
	v0 =	vadd.f32 v21, v0  }
0x183: {  	v30 =	vld.idx.msk [tilespmem:v22+s12+$0x0], $0xffff  }
0x184: {  	v32 =	vld [tilespmem:s20+$0x2380];
	v31 =	vadd.s32 $0x4E20, v23;
	v0 =	vadd.f32 v24, v0  }
0x185: {  	v33 =	vld.idx.msk [tilespmem:v25+s12+$0x0], $0xffff  }
0x186: {  	v35 =	vld [tilespmem:s20+$0x3000];
	v34 =	vadd.s32 $0x5208, v26;
	v0 =	vadd.f32 v27, v0  }
0x187: {  	v36 =	vld.idx.msk [tilespmem:v28+s12+$0x0], $0xffff  }
0x188: {  	v38 =	vld [tilespmem:s20+$0x3080];
	v37 =	vadd.s32 $0x55F0, v29;
	v0 =	vadd.f32 v30, v0  }
0x189: {  	v39 =	vld.idx.msk [tilespmem:v31+s12+$0x0], $0xffff  }
0x18a: {  	v40 =	vadd.s32 $0x59D8, v32;
	v0 =	vadd.f32 v33, v0  }
0x18b: {  	v41 =	vld.idx.msk [tilespmem:v34+s12+$0x0], $0xffff  }
0x18c: {  	v42 =	vadd.s32 $0x5DC0, v35;
	v0 =	vadd.f32 v36, v0  }
0x18d: {  	v43 =	vld.idx.msk [tilespmem:v37+s12+$0x0], $0xffff  }
0x18e: {  	v44 =	vadd.s32 $0x61A8, v38;
	v0 =	vadd.f32 v39, v0  }
0x18f: {  	v45 =	vld.idx.msk [tilespmem:v40+s12+$0x0], $0xffff  }
0x190: {  	v0 =	vadd.f32 v41, v0  }
0x191: {  	v46 =	vld.idx.msk [tilespmem:v42+s12+$0x0], $0xffff  }
0x192: {  	v0 =	vadd.f32 v43, v0  }
0x193: {  	v47 =	vld.idx.msk [tilespmem:v44+s12+$0x0], $0xffff  }
0x194: {  	v0 =	vadd.f32 v45, v0;
	_ =	sdelay $0x1  }
0x195: {  	v0 =	vadd.f32 v46, v0;
	_ =	sdelay $0x1  }
0x196: {  	v0 =	vadd.f32 v47, v0;
	_ =	sdelay $0x1  }
0x197: {  	[tilespmem:s18+$0x0] =	vst v0  }
0x198: {  	v0 =	vld [tilespmem:s20+$0x0];
	_ =	sdelay $0x1  }
0x199: {  	v48 =	vld [tilespmem:s20+$0x80];
	_ =	sdelay $0x2  }
0x19a: {  	v0 =	vmul.u32 $0x3E8, v0;
	_ =	sdelay $0x1  }
0x19b: {  	v0 =	vadd.s32 v48, v0  }
0x19c: {  	[tilespmem:s17+$0xFFFFFF80] =	vst v0  }
0x19d: {  	v0 =	vld [tilespmem:s20+$0x100];
	_ =	sdelay $0x1  }
0x19e: {  	v49 =	vld [tilespmem:s20+$0x180];
	_ =	sdelay $0x2  }
0x19f: {  	v0 =	vmul.u32 $0x3E8, v0;
	_ =	sdelay $0x1  }
0x1a0: {  	v0 =	vadd.s32 v0, v49  }
0x1a1: {  	v0 =	vadd.s32 $0xF4240, v0  }
0x1a2: {  	[tilespmem:s17+$0xFFFFFF90] =	vst v0  }
0x1a3: {  	v0 =	vld [tilespmem:s20+$0x200];
	_ =	sdelay $0x1  }
0x1a4: {  	v50 =	vld [tilespmem:s20+$0x280];
	_ =	sdelay $0x2  }
0x1a5: {  	v0 =	vmul.u32 $0x3E8, v0;
	_ =	sdelay $0x1  }
0x1a6: {  	v0 =	vadd.s32 v0, v50  }
0x1a7: {  	v0 =	vadd.s32 $0x1E8480, v0  }
0x1a8: {  	[tilespmem:s17+$0xFFFFFFA0] =	vst v0  }
0x1a9: {  	v0 =	vld [tilespmem:s20+$0x300];
	_ =	sdelay $0x1  }
0x1aa: {  	v51 =	vld [tilespmem:s20+$0x380];
	_ =	sdelay $0x2  }
0x1ab: {  	v0 =	vmul.u32 $0x3E8, v0;
	_ =	sdelay $0x1  }
0x1ac: {  	v0 =	vadd.s32 v0, v51  }
0x1ad: {  	v0 =	vadd.s32 $0x2DC6C0, v0  }
0x1ae: {  	[tilespmem:s17+$0xFFFFFFB0] =	vst v0  }
0x1af: {  	v0 =	vld [tilespmem:s20+$0x1000];
	_ =	sdelay $0x1  }
0x1b0: {  	v52 =	vld [tilespmem:s20+$0x1080];
	_ =	sdelay $0x2  }
0x1b1: {  	v0 =	vmul.u32 $0x3E8, v0;
	_ =	sdelay $0x1  }
0x1b2: {  	v0 =	vadd.s32 v0, v52  }
0x1b3: {  	v0 =	vadd.s32 $0x3D0900, v0  }
0x1b4: {  	[tilespmem:s17+$0xFFFFFFC0] =	vst v0  }
0x1b5: {  	v0 =	vld [tilespmem:s20+$0x1100];
	_ =	sdelay $0x1  }
0x1b6: {  	v53 =	vld [tilespmem:s20+$0x1180];
	_ =	sdelay $0x2  }
0x1b7: {  	v0 =	vmul.u32 $0x3E8, v0;
	_ =	sdelay $0x1  }
0x1b8: {  	v0 =	vadd.s32 v0, v53  }
0x1b9: {  	v0 =	vadd.s32 $0x4C4B40, v0  }
0x1ba: {  	[tilespmem:s17+$0xFFFFFFD0] =	vst v0  }
0x1bb: {  	v0 =	vld [tilespmem:s20+$0x1200];
	_ =	sdelay $0x1  }
0x1bc: {  	v54 =	vld [tilespmem:s20+$0x1280];
	_ =	sdelay $0x2  }
0x1bd: {  	v0 =	vmul.u32 $0x3E8, v0;
	_ =	sdelay $0x1  }
0x1be: {  	v0 =	vadd.s32 v0, v54  }
0x1bf: {  	v0 =	vadd.s32 $0x5B8D80, v0  }
0x1c0: {  	[tilespmem:s17+$0xFFFFFFE0] =	vst v0  }
0x1c1: {  	v0 =	vld [tilespmem:s20+$0x1300];
	_ =	sdelay $0x1  }
0x1c2: {  	v55 =	vld [tilespmem:s20+$0x1380];
	_ =	sdelay $0x2  }
0x1c3: {  	v0 =	vmul.u32 $0x3E8, v0;
	_ =	sdelay $0x1  }
0x1c4: {  	v0 =	vadd.s32 v0, v55  }
0x1c5: {  	v0 =	vadd.s32 $0x6ACFC0, v0  }
0x1c6: {  	[tilespmem:s17+$0xFFFFFFF0] =	vst v0  }
0x1c7: {  	v0 =	vld [tilespmem:s20+$0x2000];
	_ =	sdelay $0x1  }
0x1c8: {  	v56 =	vld [tilespmem:s20+$0x2080];
	_ =	sdelay $0x2  }
0x1c9: {  	v0 =	vmul.u32 $0x3E8, v0;
	_ =	sdelay $0x1  }
0x1ca: {  	v0 =	vadd.s32 v0, v56  }
0x1cb: {  	v0 =	vadd.s32 $0x7A1200, v0  }
0x1cc: {  	[tilespmem:s17+$0x0] =	vst v0  }
0x1cd: {  	v0 =	vld [tilespmem:s20+$0x2100];
	_ =	sdelay $0x1  }
0x1ce: {  	v57 =	vld [tilespmem:s20+$0x2180];
	_ =	sdelay $0x2  }
0x1cf: {  	v0 =	vmul.u32 $0x3E8, v0;
	_ =	sdelay $0x1  }
0x1d0: {  	v0 =	vadd.s32 v0, v57  }
0x1d1: {  	v0 =	vadd.s32 $0x895440, v0  }
0x1d2: {  	[tilespmem:s17+$0x10] =	vst v0  }
0x1d3: {  	v0 =	vld [tilespmem:s20+$0x2200];
	_ =	sdelay $0x1  }
0x1d4: {  	v58 =	vld [tilespmem:s20+$0x2280];
	_ =	sdelay $0x2  }
0x1d5: {  	v0 =	vmul.u32 $0x3E8, v0;
	_ =	sdelay $0x1  }
0x1d6: {  	v0 =	vadd.s32 v0, v58  }
0x1d7: {  	v0 =	vadd.s32 $0x989680, v0  }
0x1d8: {  	[tilespmem:s17+$0x20] =	vst v0  }
0x1d9: {  	v0 =	vld [tilespmem:s20+$0x2300];
	_ =	sdelay $0x1  }
0x1da: {  	v59 =	vld [tilespmem:s20+$0x2380];
	_ =	sdelay $0x2  }
0x1db: {  	v0 =	vmul.u32 $0x3E8, v0;
	_ =	sdelay $0x1  }
0x1dc: {  	v0 =	vadd.s32 v0, v59  }
0x1dd: {  	v0 =	vadd.s32 $0xA7D8C0, v0  }
0x1de: {  	[tilespmem:s17+$0x30] =	vst v0  }
0x1df: {  	v0 =	vld [tilespmem:s20+$0x3000];
	_ =	sdelay $0x1  }
0x1e0: {  	v60 =	vld [tilespmem:s20+$0x3080];
	_ =	sdelay $0x2  }
0x1e1: {  	v0 =	vmul.u32 $0x3E8, v0;
	_ =	sdelay $0x1  }
0x1e2: {  	v0 =	vadd.s32 v0, v60  }
0x1e3: {  	v0 =	vadd.s32 $0xB71B00, v0  }
0x1e4: {  	[tilespmem:s17+$0x40] =	vst v0  }
0x1e5: {  	v0 =	vld [tilespmem:s20+$0x0];
	_ =	sdelay $0x1  }
0x1e6: {  	v61 =	vld [tilespmem:s20+$0x100];
	_ =	sdelay $0x2  }
0x1e7: {  	v0 =	vmul.u32 $0x3E8, v0;
	_ =	sdelay $0x1  }
0x1e8: {  	v0 =	vadd.s32 v0, v61  }
0x1e9: {  	v0 =	vadd.s32 $0xC65D40, v0  }
0x1ea: {  	[tilespmem:s17+$0x50] =	vst v0  }
0x1eb: {  	v0 =	vld [tilespmem:s20+$0x80];
	_ =	sdelay $0x1  }
0x1ec: {  	v62 =	vld [tilespmem:s20+$0x180];
	_ =	sdelay $0x2  }
0x1ed: {  	v0 =	vmul.u32 $0x3E8, v0;
	_ =	sdelay $0x1  }
0x1ee: {  	v0 =	vadd.s32 v0, v62  }
0x1ef: {  	v0 =	vadd.s32 $0xD59F80, v0  }
0x1f0: {  	[tilespmem:s17+$0x60] =	vst v0  }
0x1f1: {  	v0 =	vld [tilespmem:s20+$0x200];
	_ =	sdelay $0x1  }
0x1f2: {  	v63 =	vld [tilespmem:s20+$0x300];
	_ =	sdelay $0x2  }
0x1f3: {  	v0 =	vmul.u32 $0x3E8, v0;
	_ =	sdelay $0x1  }
0x1f4: {  	v0 =	vadd.s32 v0, v63  }
0x1f5: {  	v0 =	vadd.s32 $0xE4E1C0, v0  }
0x1f6: {  	[tilespmem:s17+$0x70] =	vst v0  }
0x1f7: {  	[hbm4b:s6+s3] =	stream.linear.scatter [tilespmem:s14], [sflag:$0x1], $0x200, $0x38;
	[tilespmem:$0xC880] =	vst v63  }
0x1f8: {  	s16 =	sadd.s32 $0x1, s16;
	_ =	swait.ge [sflag:s11], $0x200  }
0x1f9: {  	p0 =	sne.s32 s16, s8;
	[sflag:s11] =	ssyncset.done $0x0  }
.Ltmp1:
0x1fa: {  	[sflag:s11] =	ssyncadd.s32 $0xFFFFFE00;
	(pc) =	sbr.rel @p0 .LBB2_1-.Ltmp1, $4  }
0x1fb: {  	[hbm4b:s7+s3] =	stream.linear.scatter [tilespmem:s15], [sflag:$0x1], $0x2000, $0x38;
	[tilespmem:$0xC880] =	vst v63  }
0x1fc: {  	_ =	swait.ge [sflag:s11], $0x2000  }
0x1fd: {  	[sflag:s11] =	ssyncset.done $0x0  }
0x1fe: {  	[sflag:s11] =	ssyncadd.s32 $0xFFFFE000  }
0x1ff: {  	_ =	sfence.sel $0x180000  }
0x200: {  	[bflag:$0x0] =	sbarrier.arrive $0xFFFF  }
0x201: {  	p0 =	sne.s32 s2, $0x0;
	_ =	strace $0x90000047  }
0x202: {  	s0 =	sadd.s32 @!p0 $0x100000, s0;
	[bflag:$0x2] =	sbarrier.arrive $0xFFFF  }
0x203: {  	[sflag:s0] =	ssyncadd.tile.s32 @!p0 $0x1;
	_ =	shalt  }
.Lfunc_end2:
_tile_overlayer_lowered:
.L_overlay_start_2:
0x204: {  	(tag) =	ssettag $0x2  }
0x205: {  	s0 =	rddreg [dreg:$0x0];
	s2 =	stileid.u32  }
0x206: {  	s1 =	rddreg [dreg:$0x1];
	p0 =	sne.s32 s2, $0x0  }
0x207: {  	s3 =	rddreg [dreg:$0x2];
	[bflag:$0x3] =	sbarrier.arrive $0xFFFF;
	s2 =	simm.s32 @!p0 $0x1C01  }
0x208: {  	[timem:s3], [sflag:s2] =	dma.local @!p0 [hbm:s0], s1  }
0x209: {  	s0 =	simm.s32 @!p0 $0x1  }
0x20a: {  	_ =	swait.ge @!p0 [sflag:s0], s1  }
0x20b: {  	s1 =	ssub.s32 @!p0 $0x0, s1;
	[sflag:s0] =	ssyncset.done @!p0 $0x0  }
0x20c: {  	[sflag:s0] =	ssyncadd.s32 @!p0 s1  }
0x20d: {  	[bflag:$0x3] =	sbarrier.arrive $0xFFFF  }
0x20e: {  	_ =	shalt  }

// kernel: kernel.7.cloned.1.call-start
scs
__scs_entry_jumppad:
0x0: {  	(pc) =	sbr.rel $0x88, $3  }
0x1: {  	(tag) =	ssettag $0x0;
	lr =	simm.s32 $0x1  }
0x2: {  	[smem:$0x3F9D] =	sst lr;
	_ =	strace $0xD0000000  }
0x3: {  	_ = 	snop  }
0x4: {  	_ = 	snop  }
0x5: {  	_ = 	snop  }
0x6: {  	_ = 	snop  }
0x7: {  	_ = 	snop  }
__scs_overlays_trampoline_lowered:
0x8: {  	[smem:$0x3FAC] =	sst s0  }
0x9: {  	[smem:$0x3FAD] =	sst s1  }
0xa: {  	[smem:$0x3FAE] =	sst s2  }
0xb: {  	[smem:$0x3FAF] =	sst s3  }
0xc: {  	[smem:$0x3FB0] =	sst s4  }
0xd: {  	[smem:$0x3FB1] =	sst s5  }
0xe: {  	[smem:$0x3FB2] =	sst s6  }
0xf: {  	[smem:$0x3FB3] =	sst s7  }
0x10: {  	[smem:$0x3FB4] =	sst s8  }
0x11: {  	[smem:$0x3FB5] =	sst s9;
	s0 =	simm.s32 @!p0 $0x0  }
0x12: {  	s1 =	sld [smem:$0x3F9B];
	s0 =	simm.s32 @p0 $0x1  }
0x13: {  	[smem:$0x3FB6] =	sst s0;
	s0 =	simm.s32 @!p1 $0x0  }
0x14: {  	s2 =	sld [smem:$0x3F9A];
	s0 =	simm.s32 @p1 $0x1  }
0x15: {  	[smem:$0x3FB7] =	sst s0;
	s0 =	simm.s32 @!p2 $0x0  }
0x16: {  	s3 =	sld [smem:$0x3FDB];
	s0 =	simm.s32 @p2 $0x1  }
0x17: {  	s4 =	simm.s32 $0x1BF5;
	[smem:$0x3FB9] =	sst s0  }
0x18: {  	s0 =	sld [smem:$0x3F9C];
	_ =	swait.ge [sflag:s4], $0x0  }
0x19: {  	s7 =	sld [smem:$0x3F9D]  }
0x1a: {  	s8 =	sadd.s32 $0xFFFFE003, lr  }
0x1b: {  	s9 =	sadd.s32 $0xFFFFFEF7, lr;
	s5 =	simm.s32 $0xFFFFFFFF;
	p2 =	slt.u32 s8, $0xFFFFF086  }
0x1c: {  	p1 =	slt.u32 s9, $0xF7A;
	s5 =	simm.s32 @!p2 $0x0  }
0x1d: {  	s5 =	simm.s32 @p1 $0x1;
	p0 =	seq.s32 s7, s2  }
0x1e: {  	s7 =	smul.u32 @!p0 $0xF7A, s2;
	p2 =	seq.s32 @!p0 s5, $0x0  }
0x1f: {  	s9 =	smul.u32 $0xF7A, s1;
	s8 =	simm.s32 @!p0 $0x1BF5;
	p2 =	por !p2, p0  }
0x20: {  	[sflag:s8] =	ssyncset.s32 @!p0 $0xFFFFF086;
	s6 =	sadd.s32 @!p0 s3, s7;
	s7 =	simm.s32 @!p0 $0x108  }
0x21: {  	s3 =	sadd.s32 s3, s9;
	s6 =	sadd.s32 @!p0 $0x88, s6;
	s7 =	simm.s32 @p2 $0x1082  }
0x22: {  	[simem:s7], [sflag:s8] =	dma.local @!p0 [hbm:s6], $0xF7A  }
0x23: {  	s9 =	sor.u32 $0xD0000000, s2;
	s6 =	simm.s32 $0x108;
	_ =	swait.ge @!p0 [sflag:s8], $0x0  }
0x24: {  	s3 =	sadd.s32 $0x88, s3;
	s6 =	simm.s32 @!p1 $0x1082;
	[sflag:s4] =	ssyncset.s32 $0xFFFFF086  }
0x25: {  	[simem:s6], [sflag:s4] =	dma.local [hbm:s3], $0xF7A  }
0x26: {  	[smem:$0x3F9D] =	sst s1;
	(tag) =	ssettag s2;
	_ =	strace s9  }
0x27: {  	s1 =	sld [smem:$0x3FAD]  }
0x28: {  	s2 =	sld [smem:$0x3FAE]  }
0x29: {  	s4 =	sld [smem:$0x3FB0]  }
0x2a: {  	p0 =	seq.s32 s5, $0x0;
	s5 =	sld [smem:$0x3FB1]  }
0x2b: {  	s6 =	sld [smem:$0x3FB2]  }
0x2c: {  	s7 =	sld [smem:$0x3FB3]  }
0x2d: {  	s3 =	simm.s32 $0x108;
	s8 =	sld [smem:$0x3FB4]  }
0x2e: {  	s3 =	simm.s32 @!p0 $0x1082;
	s9 =	sld [smem:$0x3FB5]  }
0x2f: {  	lr =	sadd.s32 s0, s3;
	s0 =	sld [smem:$0x3FAC]  }
0x30: {  	s3 =	sld [smem:$0x3FAF]  }
0x31: {  	[smem:$0x3FB8] =	sst s10  }
0x32: {  	s10 =	sld [smem:$0x3FB6];
	_ =	sdelay $0x3  }
0x33: {  	p0 =	seq.s32 s10, $0x1;
	s10 =	sld [smem:$0x3FB8];
	_ =	sdelay $0x3  }
0x34: {  	[smem:$0x3FB8] =	sst s10  }
0x35: {  	s10 =	sld [smem:$0x3FB7];
	_ =	sdelay $0x3  }
0x36: {  	p1 =	seq.s32 s10, $0x1;
	s10 =	sld [smem:$0x3FB8];
	_ =	sdelay $0x3  }
0x37: {  	[smem:$0x3FB8] =	sst s10  }
0x38: {  	s10 =	sld [smem:$0x3FB9]  }
0x39: {  	_ = 	snop;
	(pc) =	sbr.ind lr, $3  }
0x3a: {  	_ = 	snop  }
0x3b: {  	_ = 	snop  }
0x3c: {  	p2 =	seq.s32 s10, $0x1;
	s10 =	sld [smem:$0x3FB8]  }
0x3d: {  	_ =	shalt  }
0x3e: {  	_ =	shalt  }
0x3f: {  	_ =	shalt  }
0x40: {  	_ =	shalt  }
0x41: {  	_ =	shalt  }
0x42: {  	_ =	shalt  }
0x43: {  	_ =	shalt  }
0x44: {  	_ =	shalt  }
0x45: {  	_ =	shalt  }
0x46: {  	_ =	shalt  }
0x47: {  	_ =	shalt  }
0x48: {  	_ =	shalt  }
0x49: {  	_ =	shalt  }
0x4a: {  	_ =	shalt  }
0x4b: {  	_ =	shalt  }
0x4c: {  	_ =	shalt  }
0x4d: {  	_ =	shalt  }
0x4e: {  	_ =	shalt  }
0x4f: {  	_ =	shalt  }
0x50: {  	_ =	shalt  }
0x51: {  	_ =	shalt  }
0x52: {  	_ =	shalt  }
0x53: {  	_ =	shalt  }
0x54: {  	_ =	shalt  }
0x55: {  	_ =	shalt  }
0x56: {  	_ =	shalt  }
0x57: {  	_ =	shalt  }
0x58: {  	_ =	shalt  }
0x59: {  	_ =	shalt  }
0x5a: {  	_ =	shalt  }
0x5b: {  	_ =	shalt  }
0x5c: {  	_ =	shalt  }
0x5d: {  	_ =	shalt  }
0x5e: {  	_ =	shalt  }
0x5f: {  	_ =	shalt  }
0x60: {  	_ =	shalt  }
0x61: {  	_ =	shalt  }
0x62: {  	_ =	shalt  }
0x63: {  	_ =	shalt  }
0x64: {  	_ =	shalt  }
0x65: {  	_ =	shalt  }
0x66: {  	_ =	shalt  }
0x67: {  	_ =	shalt  }
0x68: {  	_ =	shalt  }
0x69: {  	_ =	shalt  }
0x6a: {  	_ =	shalt  }
0x6b: {  	_ =	shalt  }
0x6c: {  	_ =	shalt  }
0x6d: {  	_ =	shalt  }
0x6e: {  	_ =	shalt  }
0x6f: {  	_ =	shalt  }
0x70: {  	_ =	shalt  }
0x71: {  	_ =	shalt  }
0x72: {  	_ =	shalt  }
0x73: {  	_ =	shalt  }
0x74: {  	_ =	shalt  }
0x75: {  	_ =	shalt  }
0x76: {  	_ =	shalt  }
0x77: {  	_ =	shalt  }
0x78: {  	_ =	shalt  }
0x79: {  	_ =	shalt  }
0x7a: {  	_ =	shalt  }
0x7b: {  	_ =	shalt  }
0x7c: {  	_ =	shalt  }
0x7d: {  	_ =	shalt  }
0x7e: {  	_ =	shalt  }
0x7f: {  	_ =	shalt  }
0x80: {  	_ =	shalt  }
0x81: {  	_ =	shalt  }
0x82: {  	_ =	shalt  }
0x83: {  	_ =	shalt  }
0x84: {  	_ =	shalt  }
0x85: {  	_ =	shalt  }
0x86: {  	_ =	shalt  }
0x87: {  	_ =	shalt  }
.Lfunc_end0:
.L_simem_size_0:
called_computation.1_lowered:
.L_overlay_start_0:
0x88: {  	s2 =	sld [smem:$0x3FD9]  }
0x89: {  	s3 =	sld [smem:$0x3FFE];
	_ =	sdelay $0x1  }
0x8a: {  	s1 =	srdreg.scid  }
0x8b: {  	s0 =	sand.u32 $0x1, s1  }
0x8c: {  	s17 =	sshll.u32 s0, $0xA;
	s2 =	sadd.s32 s3, s2  }
0x8d: {  	s2 =	sadd.s32 s2, s17  }
0x8e: {  	[smem:$0x3FC4] =	sst s2  }
0x8f: {  	_ = 	snop  }
0x90: {  	s2 =	sld [smem:$0x3FD0];
	(tm) =	ssettm $0x1  }
0x91: {  	s18 =	sld [smem:$0x3FFB];
	_ =	sdelay $0x3  }
0x92: {  	_ =	strace s18  }
0x93: {  	s3 =	sld [smem:$0x3FFC];
	_ =	sdelay $0x3  }
0x94: {  	_ =	strace s3  }
0x95: {  	s3 =	sld [smem:$0x3FFD];
	_ =	sdelay $0x3  }
0x96: {  	_ =	strace s3  }
0x97: {  	_ =	strace $0x8FFFFFFF  }
0x98: {  	s19 =	sld [smem:$0x3FDB];
	_ =	sdelay $0x1  }
0x99: {  	s4 =	simm.s32 $_scs_section_size  }
0x9a: {  	s5 =	simm.s32 $_size__tile_overlayer_lowered;
	s6 =	simm.s32 $_tile_overlayer_lowered  }
0x9b: {  	s22 =	simm.s32 $0x1BFF;
	s21 =	sshll.u32 s6, $0x1;
	s3 =	sadd.s32 s4, s19  }
0x9c: {  	s7 =	simm.s32 $0x0;
	s20 =	sshll.u32 s5, $0x1;
	s5 =	sadd.s32 s21, s3  }
0x9d: {  	[timem:s7], [sflag:s22] =	dma.local [hbm:s5], s20  }
0x9e: {  	_ =	swait.ge [sflag:s22], s20  }
0x9f: {  	s4 =	ssub.s32 $0x0, s20;
	[sflag:s22] =	ssyncset.done $0x0  }
0xa0: {  	[sflag:s22] =	ssyncadd.s32 s4;
	_ =	sdelay $0x1  }
0xa1: {  	s23 =	simm.s32 $0x1B8B  }
0xa2: {  	_ =	swait.ge [sflag:s23], $0x1  }
0xa3: {  	[sflag:s23] =	ssyncset.done $0x0  }
0xa4: {  	s25 =	simm.s32 $0x1B8E;
	s24 =	sld [smem:$0x3FFE];
	[sflag:s23] =	ssyncadd.s32 $0xFFFFFFFF  }
0xa5: {  	s26 =	simm.s32 $execute0_lowered;
	[smem:$0x3FD2] =	sst s25  }
0xa6: {  	s5 =	sshll.u32 s26, $0x1;
	_ =	strace $0x80000049;
	[dreg:$0x1] =	wrdreg $0xFFFFFFFF  }
0xa7: {  	s28 =	simm.s32 $_size_execute0_lowered;
	s3 =	sadd.s32 s3, s5;
	[dreg:$0x0] =	wrdreg $0x0  }
0xa8: {  	s5 =	sshll.u32 s28, $0x1;
	[dreg:$0x2] =	wrdreg s3  }
0xa9: {  	[dreg:$0x3] =	wrdreg s5  }
0xaa: {  	[dreg:$0x4] =	wrdreg $0xC0  }
0xab: {  	_ =	task [dreg:s7], $0x5FFFF  }
0xac: {  	[dreg:$0x1] =	wrdreg $0xFFFFFFFF  }
0xad: {  	[dreg:$0x0] =	wrdreg $0x60  }
0xae: {  	[dreg:$0x2] =	wrdreg s24  }
0xaf: {  	[dreg:$0x3] =	wrdreg s2  }
0xb0: {  	[dreg:$0x4] =	wrdreg $0x9  }
0xb1: {  	_ =	task.clear_ibuf [dreg:s7], $0x5FFFF;
	_ =	strace $0x90000049  }
0xb2: {  	s29 =	simm.s32 $0x9;
	_ =	strace $0x8000004B  }
0xb3: {  	_ =	swait.ge [sflag:s29], $0x1  }
0xb4: {  	[sflag:s29] =	ssyncadd.s32 $0xFFFFFFFF  }
0xb5: {  	_ =	strace $0x9000004B  }
0xb6: {  	_ =	sfence  }
0xb7: {  	s30 =	sld [smem:$0x0];
	_ =	sdelay $0x2  }
0xb8: {  	s31 =	sshll.u32 s1, $0xD;
	s1 =	sshrl.u32 s1, $0x2  }
0xb9: {  	s3 =	sand.u32 $0x4000, s31;
	s1 =	sadd.s32 s1, s30  }
0xba: {  	s0 =	sor.u32 s3, s0;
	s1 =	sshll.u32 s1, $0x11  }
0xbb: {  	s0 =	sor.u32 s1, s0  }
0xbc: {  	s0 =	sadd.s32 $0x8F2B, s0  }
0xbd: {  	[sflag:s0] =	ssyncadd.remote.s32 $0x1  }
0xbe: {  	_ =	sfence.sel $0xFFFF  }
0xbf: {  	[dreg:$0x0] =	wrdreg $0xFFFFFFFF;
	(pc) =	sbr.abs _section_cstart, $3  }
0xc0: {  	[dreg:$0x1] =	wrdreg $0xFFFFFFFF  }
0xc1: {  	_ =	task.clear_ibuf [dreg:s7], $0x2FFFF;
	_ =	strace $0x9FFFFFFF  }
0xc2: {  	(tm) =	ssettm $0x7FFFFFFF  }
0xc3: {  	_ =	shalt  }
tec
execute0_lowered:
.L_overlay_start_1:
0x0: {  	(tag) =	ssettag $0x1  }
0x1: {  	s4 =	rddreg [dreg:$0x0]  }
0x2: {  	s6 =	rddreg [dreg:$0x1]  }
0x3: {  	s0 =	rddreg [dreg:$0x2];
	s2 =	simm.s32 $0x0  }
0x4: {  	s3 =	srdreg.scid;
	s1 =	stileid.u32;
	s11 =	simm.s32 $0x3000  }
0x5: {  	s12 =	simm.s32 $0x4000;
	s13 =	simm.s32 $0x1;
	s14 =	simm.s32 $0x2  }
0x6: {  	s15 =	simm.s32 $0x0;
	s5 =	sand.u32 $0x1, s3;
	s7 =	sshll.u32 s1, $0x1  }
0x7: {  	[smem:$0x7FF] =	sst s2;
	s3 =	sadd.s32 $0xA200, s4;
	s7 =	sor.u32 s5, s7  }
0x8: {  	_ =	strace $0x8000004A;
	s5 =	ssub.s32 $0x2, s5;
	s8 =	sshll.u32 s7, $0xA  }
0x9: {  	s7 =	sshll.u32 s7, $0x6;
	s9 =	sshrl.u32 s5, $0x1;
	s8 =	sadd.s32 s8, s4  }
0xa: {  	s10 =	sadd.s32 s7, s4;
	s9 =	ssub.s32 s5, s9;
	s6 =	sadd.s32 s6, s7  }
0xb: {  	s4 =	sadd.s32 $0x2200, s8;
	s5 =	sadd.s32 $0x1A00, s10;
	s7 =	smax.u32 s9, $0x1  }
0xc: {  	s8 =	simm.s32 $0x3;
	s9 =	simm.s32 $0x1000;
	s10 =	simm.s32 $0x2000  }
.LBB2_1:
0xd: {  	[tilespmem:s2], [sflag:$0x3] =	stream.linear.gather [hbm4b:s4+s2], $0x2000, $0x38;
	[tilespmem:$0x4200] =	vst v63  }
0xe: {  	_ =	swait.ge [sflag:s8], $0x2000  }
0xf: {  	[sflag:s8] =	ssyncset.done $0x0  }
0x10: {  	[sflag:s8] =	ssyncadd.s32 $0xFFFFE000  }
0x11: {  	[tilespmem:s10], [sflag:$0x1] =	stream.indirect.gather [hbm4b:s3+s9], $0x1, s2, s9, $0xb8;
	[tilespmem:$0x4200] =	vst v63  }
0x12: {  	_ = 	snop  }
0x13: {  	[tilespmem:s11], [sflag:$0x2] =	stream.indirect.gather [hbm4b:s3+s9], $0x1, s9, s9, $0xb8;
	[tilespmem:$0x4200] =	vst v63  }
0x14: {  	_ = 	snop  }
0x15: {  	[tilespmem:s12], [sflag:$0x3] =	stream.linear.gather [hbm4b:s5+s2], $0x200, $0x38;
	[tilespmem:$0x4200] =	vst v63  }
0x16: {  	_ =	swait.ge [sflag:s8], $0x200  }
0x17: {  	[sflag:s8] =	ssyncset.done $0x0  }
0x18: {  	[sflag:s8] =	ssyncadd.s32 $0xFFFFFE00  }
0x19: {  	_ =	swait.ge [sflag:s13], $0x1000  }
0x1a: {  	[sflag:s13] =	ssyncset.done $0x0  }
0x1b: {  	s17 =	simm.s32 $0x2080;
	[sflag:s13] =	ssyncadd.s32 $0xFFFFF000  }
0x1c: {  	s16 =	simm.s32 $0x0;
	s18 =	simm.s32 $0x40;
	v0 =	vld [tilespmem:s17+$0xFFFFFF80]  }
.LBB2_2:
0x1d: {  	p0 =	sne.s32 s18, $0x3C0;
	v1 =	vld [tilespmem:s16+$0x4000];
	_ =	sdelay $0x1  }
0x1e: {  	v2 =	vld [tilespmem:s17+$0xFFFFFF90];
	_ =	sdelay $0x1  }
0x1f: {  	v3 =	vld [tilespmem:s17+$0xFFFFFFA0]  }
0x20: {  	v0 =	vadd.f32 v0, v1  }
0x21: {  	v1 =	vld [tilespmem:s17+$0xFFFFFFB0]  }
0x22: {  	v0 =	vadd.f32 v2, v0  }
0x23: {  	v2 =	vld [tilespmem:s17+$0xFFFFFFC0]  }
0x24: {  	v0 =	vadd.f32 v3, v0  }
0x25: {  	v3 =	vld [tilespmem:s17+$0xFFFFFFD0]  }
0x26: {  	v0 =	vadd.f32 v1, v0  }
0x27: {  	v1 =	vld [tilespmem:s17+$0xFFFFFFE0]  }
0x28: {  	v0 =	vadd.f32 v2, v0  }
0x29: {  	v2 =	vld [tilespmem:s17+$0xFFFFFFF0]  }
0x2a: {  	v0 =	vadd.f32 v3, v0  }
0x2b: {  	v3 =	vld [tilespmem:s17+$0x0]  }
0x2c: {  	v0 =	vadd.f32 v1, v0  }
0x2d: {  	v1 =	vld [tilespmem:s17+$0x10]  }
0x2e: {  	v0 =	vadd.f32 v2, v0  }
0x2f: {  	v2 =	vld [tilespmem:s17+$0x20]  }
0x30: {  	v0 =	vadd.f32 v3, v0  }
0x31: {  	v3 =	vld [tilespmem:s17+$0x30]  }
0x32: {  	v0 =	vadd.f32 v1, v0  }
0x33: {  	v1 =	vld [tilespmem:s17+$0x40]  }
0x34: {  	v0 =	vadd.f32 v2, v0  }
0x35: {  	v2 =	vld [tilespmem:s17+$0x50]  }
0x36: {  	v0 =	vadd.f32 v3, v0  }
0x37: {  	v3 =	vld [tilespmem:s17+$0x60]  }
0x38: {  	v0 =	vadd.f32 v1, v0  }
0x39: {  	v1 =	vld [tilespmem:s17+$0x70]  }
0x3a: {  	v0 =	vadd.f32 v2, v0;
	_ =	sdelay $0x1  }
0x3b: {  	v0 =	vadd.f32 v3, v0  }
.Ltmp0:
0x3c: {  	(pc) =	sbr.rel @p0 .LBB2_2-.Ltmp0, $3  }
0x3d: {  	v0 =	vadd.f32 v1, v0;
	_ =	sdelay $0x1  }
0x3e: {  	s17 =	sadd.s32 $0x100, s17;
	[tilespmem:s16+$0x4000] =	vst v0  }
0x3f: {  	s16 =	sshra.s32 s18, $0x2;
	s18 =	sadd.s32 $0x40, s18;
	v0 =	vld [tilespmem:s17+$0xFFFFFF80]  }
0x40: {  	v1 =	vld [tilespmem:s16+$0x4000];
	_ =	sdelay $0x1  }
0x41: {  	v2 =	vld [tilespmem:s17+$0xFFFFFF90];
	_ =	sdelay $0x1  }
0x42: {  	v3 =	vld [tilespmem:s17+$0xFFFFFFA0]  }
0x43: {  	v0 =	vadd.f32 v0, v1  }
0x44: {  	v1 =	vld [tilespmem:s17+$0xFFFFFFB0]  }
0x45: {  	v0 =	vadd.f32 v2, v0  }
0x46: {  	v2 =	vld [tilespmem:s17+$0xFFFFFFC0]  }
0x47: {  	v0 =	vadd.f32 v3, v0  }
0x48: {  	v3 =	vld [tilespmem:s17+$0xFFFFFFD0]  }
0x49: {  	v0 =	vadd.f32 v1, v0  }
0x4a: {  	v1 =	vld [tilespmem:s17+$0xFFFFFFE0]  }
0x4b: {  	v0 =	vadd.f32 v2, v0  }
0x4c: {  	v2 =	vld [tilespmem:s17+$0xFFFFFFF0]  }
0x4d: {  	v0 =	vadd.f32 v3, v0  }
0x4e: {  	v3 =	vld [tilespmem:s17+$0x0]  }
0x4f: {  	v0 =	vadd.f32 v1, v0  }
0x50: {  	v1 =	vld [tilespmem:s17+$0x10]  }
0x51: {  	v0 =	vadd.f32 v2, v0  }
0x52: {  	v2 =	vld [tilespmem:s17+$0x20]  }
0x53: {  	v0 =	vadd.f32 v3, v0  }
0x54: {  	v3 =	vld [tilespmem:s17+$0x30]  }
0x55: {  	v0 =	vadd.f32 v1, v0  }
0x56: {  	v1 =	vld [tilespmem:s17+$0x40]  }
0x57: {  	v0 =	vadd.f32 v2, v0  }
0x58: {  	v2 =	vld [tilespmem:s17+$0x50]  }
0x59: {  	v0 =	vadd.f32 v3, v0  }
0x5a: {  	v3 =	vld [tilespmem:s17+$0x60]  }
0x5b: {  	v0 =	vadd.f32 v1, v0  }
0x5c: {  	v1 =	vld [tilespmem:s17+$0x70]  }
0x5d: {  	v0 =	vadd.f32 v2, v0;
	_ =	sdelay $0x1  }
0x5e: {  	v0 =	vadd.f32 v3, v0;
	_ =	sdelay $0x1  }
0x5f: {  	v0 =	vadd.f32 v1, v0;
	_ =	sdelay $0x1  }
0x60: {  	[tilespmem:s16+$0x4000] =	vst v0  }
0x61: {  	_ =	swait.ge [sflag:s14], $0x1000  }
0x62: {  	[sflag:s14] =	ssyncset.done $0x0  }
0x63: {  	s17 =	simm.s32 $0x30F0;
	[sflag:s14] =	ssyncadd.s32 $0xFFFFF000  }
0x64: {  	s18 =	simm.s32 $0x40;
	s16 =	simm.s32 $0x0;
	v0 =	vld [tilespmem:s17+$0xFFFFFF10]  }
.LBB2_4:
0x65: {  	p0 =	sne.s32 s18, $0x3C0;
	v1 =	vld [tilespmem:s16+$0x4100];
	_ =	sdelay $0x1  }
0x66: {  	v2 =	vld [tilespmem:s17+$0xFFFFFF20];
	_ =	sdelay $0x1  }
0x67: {  	v3 =	vld [tilespmem:s17+$0xFFFFFF30]  }
0x68: {  	v0 =	vadd.f32 v0, v1  }
0x69: {  	v1 =	vld [tilespmem:s17+$0xFFFFFF40]  }
0x6a: {  	v0 =	vadd.f32 v2, v0  }
0x6b: {  	v2 =	vld [tilespmem:s17+$0xFFFFFF50]  }
0x6c: {  	v0 =	vadd.f32 v3, v0  }
0x6d: {  	v3 =	vld [tilespmem:s17+$0xFFFFFF60]  }
0x6e: {  	v0 =	vadd.f32 v1, v0  }
0x6f: {  	v1 =	vld [tilespmem:s17+$0xFFFFFF70]  }
0x70: {  	v0 =	vadd.f32 v2, v0  }
0x71: {  	v2 =	vld [tilespmem:s17+$0xFFFFFF80]  }
0x72: {  	v0 =	vadd.f32 v3, v0  }
0x73: {  	v3 =	vld [tilespmem:s17+$0xFFFFFF90]  }
0x74: {  	v0 =	vadd.f32 v1, v0  }
0x75: {  	v1 =	vld [tilespmem:s17+$0xFFFFFFA0]  }
0x76: {  	v0 =	vadd.f32 v2, v0  }
0x77: {  	v2 =	vld [tilespmem:s17+$0xFFFFFFB0]  }
0x78: {  	v0 =	vadd.f32 v3, v0  }
0x79: {  	v3 =	vld [tilespmem:s17+$0xFFFFFFC0]  }
0x7a: {  	v0 =	vadd.f32 v1, v0  }
0x7b: {  	v1 =	vld [tilespmem:s17+$0xFFFFFFD0]  }
0x7c: {  	v0 =	vadd.f32 v2, v0  }
0x7d: {  	v2 =	vld [tilespmem:s17+$0xFFFFFFE0]  }
0x7e: {  	v0 =	vadd.f32 v3, v0  }
0x7f: {  	v3 =	vld [tilespmem:s17+$0xFFFFFFF0]  }
0x80: {  	v0 =	vadd.f32 v1, v0  }
0x81: {  	v1 =	vld [tilespmem:s17+$0x0]  }
0x82: {  	v0 =	vadd.f32 v2, v0;
	_ =	sdelay $0x1  }
0x83: {  	v0 =	vadd.f32 v3, v0  }
.Ltmp1:
0x84: {  	(pc) =	sbr.rel @p0 .LBB2_4-.Ltmp1, $3  }
0x85: {  	v0 =	vadd.f32 v1, v0;
	_ =	sdelay $0x1  }
0x86: {  	s17 =	sadd.s32 $0x100, s17;
	[tilespmem:s16+$0x4100] =	vst v0  }
0x87: {  	s16 =	sshra.s32 s18, $0x2;
	s18 =	sadd.s32 $0x40, s18;
	v0 =	vld [tilespmem:s17+$0xFFFFFF10]  }
0x88: {  	v1 =	vld [tilespmem:s16+$0x4100];
	_ =	sdelay $0x1  }
0x89: {  	v2 =	vld [tilespmem:s17+$0xFFFFFF20];
	_ =	sdelay $0x1  }
0x8a: {  	v3 =	vld [tilespmem:s17+$0xFFFFFF30]  }
0x8b: {  	v0 =	vadd.f32 v0, v1  }
0x8c: {  	v51 =	vld [tilespmem:s17+$0xFFFFFF40]  }
0x8d: {  	v0 =	vadd.f32 v2, v0  }
0x8e: {  	v52 =	vld [tilespmem:s17+$0xFFFFFF50]  }
0x8f: {  	v0 =	vadd.f32 v3, v0  }
0x90: {  	v53 =	vld [tilespmem:s17+$0xFFFFFF60]  }
0x91: {  	v0 =	vadd.f32 v51, v0  }
0x92: {  	v54 =	vld [tilespmem:s17+$0xFFFFFF70]  }
0x93: {  	v0 =	vadd.f32 v52, v0  }
0x94: {  	v55 =	vld [tilespmem:s17+$0xFFFFFF80]  }
0x95: {  	v0 =	vadd.f32 v53, v0  }
0x96: {  	v56 =	vld [tilespmem:s17+$0xFFFFFF90]  }
0x97: {  	v0 =	vadd.f32 v54, v0  }
0x98: {  	v57 =	vld [tilespmem:s17+$0xFFFFFFA0]  }
0x99: {  	v0 =	vadd.f32 v55, v0  }
0x9a: {  	v58 =	vld [tilespmem:s17+$0xFFFFFFB0]  }
0x9b: {  	v0 =	vadd.f32 v56, v0  }
0x9c: {  	v59 =	vld [tilespmem:s17+$0xFFFFFFC0]  }
0x9d: {  	v0 =	vadd.f32 v57, v0  }
0x9e: {  	v60 =	vld [tilespmem:s17+$0xFFFFFFD0]  }
0x9f: {  	v0 =	vadd.f32 v58, v0  }
0xa0: {  	v61 =	vld [tilespmem:s17+$0xFFFFFFE0]  }
0xa1: {  	v0 =	vadd.f32 v59, v0  }
0xa2: {  	v62 =	vld [tilespmem:s17+$0xFFFFFFF0]  }
0xa3: {  	v0 =	vadd.f32 v60, v0  }
0xa4: {  	v63 =	vld [tilespmem:s17+$0x0]  }
0xa5: {  	v0 =	vadd.f32 v61, v0;
	_ =	sdelay $0x1  }
0xa6: {  	v0 =	vadd.f32 v62, v0;
	_ =	sdelay $0x1  }
0xa7: {  	s15 =	sadd.s32 $0x1, s15;
	v0 =	vadd.f32 v63, v0  }
0xa8: {  	p0 =	sne.s32 s15, s7  }
.Ltmp2:
0xa9: {  	[tilespmem:s16+$0x4100] =	vst v0;
	(pc) =	sbr.rel @p0 .LBB2_1-.Ltmp2, $4  }
0xaa: {  	[hbm4b:s6+s2] =	stream.linear.scatter [tilespmem:s12], [sflag:$0x3], $0x200, $0x38;
	[tilespmem:$0x4200] =	vst v63  }
0xab: {  	_ =	swait.ge [sflag:s8], $0x200  }
0xac: {  	[sflag:s8] =	ssyncset.done $0x0  }
0xad: {  	[sflag:s8] =	ssyncadd.s32 $0xFFFFFE00  }
0xae: {  	_ =	sfence.sel $0x180000  }
0xaf: {  	[bflag:$0x0] =	sbarrier.arrive $0xFFFF  }
0xb0: {  	p0 =	sne.s32 s1, $0x0;
	_ =	strace $0x9000004A  }
0xb1: {  	s0 =	sadd.s32 @!p0 $0x100000, s0;
	[bflag:$0x2] =	sbarrier.arrive $0xFFFF  }
0xb2: {  	[sflag:s0] =	ssyncadd.tile.s32 @!p0 $0x1;
	_ =	shalt  }
.Lfunc_end2:
_tile_overlayer_lowered:
.L_overlay_start_2:
0xb3: {  	(tag) =	ssettag $0x2  }
0xb4: {  	s0 =	rddreg [dreg:$0x0];
	s2 =	stileid.u32  }
0xb5: {  	s1 =	rddreg [dreg:$0x1];
	p0 =	sne.s32 s2, $0x0  }
0xb6: {  	s3 =	rddreg [dreg:$0x2];
	[bflag:$0x3] =	sbarrier.arrive $0xFFFF;
	s2 =	simm.s32 @!p0 $0x1C03  }
0xb7: {  	[timem:s3], [sflag:s2] =	dma.local @!p0 [hbm:s0], s1  }
0xb8: {  	s0 =	simm.s32 @!p0 $0x3  }
0xb9: {  	_ =	swait.ge @!p0 [sflag:s0], s1  }
0xba: {  	s1 =	ssub.s32 @!p0 $0x0, s1;
	[sflag:s0] =	ssyncset.done @!p0 $0x0  }
0xbb: {  	[sflag:s0] =	ssyncadd.s32 @!p0 s1  }
0xbc: {  	[bflag:$0x3] =	sbarrier.arrive $0xFFFF  }
0xbd: {  	_ =	shalt  }

</sc_bundles>
